<compile_context>
chip_gen: v7x
topology: tpu7x:2x2x1
jax: 0.10.2.dev20260603
libtpu: 0.0.44.dev20260713+nightly
codegen_flags: <defaults>
</compile_context>

<pallas_src>
import functools

import jax
import jax.numpy as jnp
from jax import lax
from jax.experimental import pallas as pl
from jax.experimental.pallas import tpu as pltpu
from jax.experimental.pallas import tpu_sc as plsc

_B, _N, _C, _DFF, _K = 4, 8192, 768, 3072, 1024
_NC, _NS, _L = 2, 16, 16
_NW = _NC * _NS
_RPW = (_B * _K) // _NW
_SEARCH_ITERS = 31


def _sc_mesh():
    return plsc.VectorSubcoreMesh(
        core_axis_name="c", subcore_axis_name="s",
        num_cores=_NC, num_subcores=_NS)


_SC_PARAMS = pltpu.CompilerParams(needs_layout_passes=False)


def _wid():
    return lax.axis_index("s") * _NC + lax.axis_index("c")



def _prep_body(scores_ref, thr_ref):
    bits = lax.bitcast_convert_type(scores_ref[...], jnp.int32)

    def step(_, carry):
        lo, hi = carry
        mid = lo + (hi - lo) // 2
        cnt = jnp.sum((bits >= mid).astype(jnp.int32), axis=1, keepdims=True)
        ok = cnt >= _K
        return jnp.where(ok, mid, lo), jnp.where(ok, hi, mid)

    lo0 = jnp.zeros((_B, 1), jnp.int32)
    hi0 = jnp.full((_B, 1), 0x7F800000, jnp.int32)
    lo, _ = lax.fori_loop(0, _SEARCH_ITERS, step, (lo0, hi0))
    thr = lax.bitcast_convert_type(lo, jnp.float32)
    thr_ref[...] = jnp.broadcast_to(thr, (_B, _L))


def _prep_call(scores, *, interpret=False):
    return pl.pallas_call(
        _prep_body,
        out_shape=jax.ShapeDtypeStruct((_B, _L), jnp.float32),
        interpret=interpret,
    )(scores)



def _make_compact_gather(interpret=False):
    @functools.partial(
        pl.kernel,
        out_type=(jax.ShapeDtypeStruct((_B * _K,), jnp.int32),
                  jax.ShapeDtypeStruct((_B * _K, _C), jnp.float32)),
        mesh=_sc_mesh(),
        scratch_types=[
            pltpu.VMEM((_N,), jnp.float32),
            pltpu.VMEM((_L,), jnp.float32),
            pltpu.VMEM((2 * _K + _L,), jnp.int32),
            pltpu.VMEM((_K + _L,), jnp.int32),
            pltpu.VMEM((_RPW,), jnp.int32),
            pltpu.VMEM((_RPW, _C), jnp.float32),
            pltpu.VMEM_SHARED((2 * _K,), jnp.int32),
            pltpu.SemaphoreType.DMA,
        ],
        compiler_params=_SC_PARAMS,
        interpret=interpret,
    )
    def compact_gather(scores_hbm, thr_hbm, xflat_hbm, fidx_hbm, xf_hbm,
                       sc_v, thr_v, idxbuf, eqbuf, idx_v, rows_v,
                       shared_idx, sem):
        cid = lax.axis_index("c")
        sid = lax.axis_index("s")
        w = cid * _NS + sid

        @pl.when(jnp.logical_or(sid == 0, sid == 8))
        def _():
            b = cid * 2 + sid // 8
            pltpu.sync_copy(scores_hbm.at[b], sc_v)
            pltpu.sync_copy(thr_hbm.at[b], thr_v)
            thr_vec = thr_v[...]
            iota = lax.iota(jnp.int32, _L)
            base = b * _N

            trash_gt = 2 * _K + _L - 1
            trash_eq = _K

            def step(i, carry):
                off_gt, off_eq = carry
                v = sc_v[pl.ds(i * _L, _L)]
                idxv = iota + (base + i * _L)
                mgt = v > thr_vec
                inc_gt = mgt.astype(jnp.int32)
                cs_gt = plsc.cumsum(inc_gt)
                pos_gt = jnp.where(mgt, off_gt + cs_gt - 1, trash_gt)
                plsc.store_scatter(idxbuf, [pos_gt], idxv)
                ngt = jnp.sum(inc_gt, axis=0)
                meq = v == thr_vec
                inc_eq = meq.astype(jnp.int32)
                cs_eq = plsc.cumsum(inc_eq)
                pos_raw = off_eq + cs_eq - 1
                valid = meq & (pos_raw < _K)
                pos_eq = jnp.where(valid, pos_raw, trash_eq)
                plsc.store_scatter(eqbuf, [pos_eq], idxv)
                neq = jnp.sum(inc_eq, axis=0)
                return off_gt + ngt, off_eq + neq

            off_gt, _unused = lax.fori_loop(
                0, _N // _L, step, (jnp.int32(0), jnp.int32(0)))

            def app(j, carry):
                idxbuf[pl.ds(off_gt + j * _L, _L)] = eqbuf[pl.ds(j * _L, _L)]
                return carry

            lax.fori_loop(0, _K // _L, app, jnp.int32(0))
            pltpu.sync_copy(idxbuf.at[pl.ds(0, _K)],
                            shared_idx.at[pl.ds((sid // 8) * _K, _K)])

        plsc.subcore_barrier()

        pltpu.sync_copy(shared_idx.at[pl.ds(sid * _RPW, _RPW)], idx_v)
        pltpu.async_copy(xflat_hbm.at[idx_v], rows_v, sem).wait()
        base_out = w * _RPW
        pltpu.sync_copy(rows_v, xf_hbm.at[pl.ds(base_out, _RPW)])

        @pl.when(jnp.logical_or(sid == 0, sid == 8))
        def _():
            b = cid * 2 + sid // 8
            pltpu.sync_copy(idxbuf.at[pl.ds(0, _K)],
                            fidx_hbm.at[pl.ds(b * _K, _K)])

    return compact_gather



_GF = 8
_RB = 2048
_GC = 8
_TM = (_B * _K) // _GF
_NROWS = _B * _N
_RA = _NROWS - _GC * _RB
_RAB = 4096
_OFF = _RA // _RB


def _copy_a_body(src_ref, dst_ref):
    dst_ref[...] = src_ref[...]


def _copy_a_call(cache_flat, *, interpret=False):
    return pl.pallas_call(
        _copy_a_body,
        grid=(_RA // _RAB,),
        in_specs=[pl.BlockSpec((_RAB, _C), lambda i: (i, 0))],
        out_specs=pl.BlockSpec((_RAB, _C), lambda i: (i, 0)),
        out_shape=jax.ShapeDtypeStruct((_NROWS, _C), jnp.float32),
        compiler_params=pltpu.CompilerParams(
            vmem_limit_bytes=100 * 1024 * 1024),
        interpret=interpret,
    )(cache_flat)


def _fused_body(alias_ref, cache_ref, xf_ref, w1_ref, b1_ref, w2_ref,
                b2_ref, copy_ref, out_ref):
    del alias_ref

    @pl.when(pl.program_id(0) < _GC)
    def _():
        copy_ref[...] = cache_ref[...]
    h = jnp.dot(xf_ref[...].astype(jnp.bfloat16),
                w1_ref[...].astype(jnp.bfloat16),
                preferred_element_type=jnp.float32)
    g = jax.nn.gelu((h + b1_ref[...]).astype(jnp.bfloat16))
    out = jnp.dot(g, w2_ref[...].astype(jnp.bfloat16),
                  preferred_element_type=jnp.float32)
    out_ref[...] = out + b2_ref[...]


def _fused_call(copied_a, cache_flat, xf, w1, b1, w2, b2, *, interpret=False):
    return pl.pallas_call(
        _fused_body,
        grid=(_GF,),
        in_specs=[
            pl.BlockSpec(memory_space=pl.ANY),
            pl.BlockSpec((_RB, _C),
                         lambda i: (jnp.minimum(i, _GC - 1) + _OFF, 0)),
            pl.BlockSpec((_TM, _C), lambda i: (i, 0)),
            pl.BlockSpec((_C, _DFF), lambda i: (0, 0)),
            pl.BlockSpec((1, _DFF), lambda i: (0, 0)),
            pl.BlockSpec((_DFF, _C), lambda i: (0, 0)),
            pl.BlockSpec((1, _C), lambda i: (0, 0)),
        ],
        out_specs=[
            pl.BlockSpec((_RB, _C),
                         lambda i: (jnp.minimum(i, _GC - 1) + _OFF, 0)),
            pl.BlockSpec((_TM, _C), lambda i: (i, 0)),
        ],
        out_shape=[
            jax.ShapeDtypeStruct((_NROWS, _C), jnp.float32),
            jax.ShapeDtypeStruct((_B * _K, _C), jnp.float32),
        ],
        input_output_aliases={0: 0},
        compiler_params=pltpu.CompilerParams(
            vmem_limit_bytes=100 * 1024 * 1024),
        interpret=interpret,
    )(copied_a, cache_flat, xf, w1, b1, w2, b2)



def _make_scatter(interpret=False):
    @functools.partial(
        pl.kernel,
        out_type=(),
        mesh=_sc_mesh(),
        scratch_types=[
            pltpu.VMEM((_RPW,), jnp.int32),
            pltpu.VMEM((_RPW, _C), jnp.float32),
            pltpu.SemaphoreType.DMA,
        ],
        compiler_params=_SC_PARAMS,
        interpret=interpret,
    )
    def scatter(fidx_hbm, outf_hbm, dst_ref, idx_v, rows_v, sem):
        base = _wid() * _RPW
        pltpu.sync_copy(fidx_hbm.at[pl.ds(base, _RPW)], idx_v)
        pltpu.sync_copy(outf_hbm.at[pl.ds(base, _RPW)], rows_v)
        pltpu.async_copy(rows_v, dst_ref.at[idx_v], sem).wait()

    return scatter



def kernel(x, cache, scores, W1, b1, W2, b2):
    xflat = x.reshape(_B * _N, _C)
    cache_flat = cache.reshape(_NROWS, _C)
    copied_a = _copy_a_call(cache_flat)
    thr = _prep_call(scores)
    fidx, xf = _make_compact_gather()(scores, thr, xflat)
    copied, outf = _fused_call(copied_a, cache_flat, xf, W1,
                               b1.reshape(1, _DFF), W2, b2.reshape(1, _C))
    dst = jax.new_ref(copied)
    _make_scatter()(fidx, outf, dst)
    return dst[...].reshape(_B, _N, _C)

# --- scband reference (transcript-rebuilt; emitter-appended) ---
"""Pipeline reference for scband-to-ca-wrapper-55980603736346 (READ-ONLY COPY).

The authoritative reference and input builder live on the scoring server;
editing this copy changes nothing except your own understanding.
"""

import jax, jax.numpy as jnp
import numpy as np

B, N, C = 4, 8192, 768
D_FF = 3072
FRESH_RATIO = 0.125
K_FRESH = int(FRESH_RATIO * N)  # 1024


def setup_inputs(seed: int = 0) -> dict:
    key = jax.random.key(seed)
    k1, k2, k3, k4, k5 = jax.random.split(key, 5)
    x = jax.random.normal(k1, (B, N, C), dtype=jnp.float32)
    cache = jax.random.normal(k2, (B, N, C), dtype=jnp.float32)
    scores = jax.random.uniform(k3, (B, N), dtype=jnp.float32)
    W1 = jax.random.normal(k4, (C, D_FF), dtype=jnp.float32) * (1.0 / np.sqrt(C))
    b1 = jnp.zeros((D_FF,), dtype=jnp.float32)
    W2 = jax.random.normal(k5, (D_FF, C), dtype=jnp.float32) * (1.0 / np.sqrt(D_FF))
    b2 = jnp.zeros((C,), dtype=jnp.float32)
    return {"x": x, "cache": cache, "scores": scores, "W1": W1, "b1": b1, "W2": W2, "b2": b2}


def reference(x, cache, scores, W1, b1, W2, b2):
    # cache_cutfresh: pick top-K 'fresh' tokens per batch element by importance score
    _, fresh_idx = jax.lax.top_k(scores, K_FRESH)            # [B, K] int32
    # gather fresh tokens (x_fresh = torch.gather(x, 1, idx.expand(-1,-1,C)))
    x_fresh = jnp.take_along_axis(x, fresh_idx[:, :, None], axis=1)  # [B, K, C]
    # inner module: 2-layer GELU MLP run only on fresh tokens
    h = jax.nn.gelu(x_fresh @ W1 + b1)
    out_fresh = h @ W2 + b2                                   # [B, K, C]
    # update_cache: scatter fresh outputs back into the cached full output
    batch_idx = jnp.arange(B, dtype=fresh_idx.dtype)[:, None]  # [B, 1]
    new_cache = cache.at[batch_idx, fresh_idx].set(out_fresh)  # scatter-overwrite
    # wrapper returns the (updated) cached output for this layer/module
    return new_cache

if __name__ == "__main__":
    import jax
    _d = setup_inputs()
    print(jax.jit(kernel)(*tuple(_d.values())))

</pallas_src>

<mosaic_0001>
#map = affine_map<(d0, d1) -> (0)>
#map1 = affine_map<(d0, d1) -> (0, 0)>
module attributes {stable_mosaic.version = 14 : i64} {
  func.func @new_body(%arg0: i32, %arg1: i32, %arg2: memref<4096xi32, #tpu.memory_space<hbm>>, %arg3: memref<4096x768xf32, #tpu.memory_space<hbm>>, %arg4: memref<32768x768xf32, #tpu.memory_space<hbm>>, %arg5: memref<32768x768xf32, #tpu.memory_space<hbm>>, %arg6: memref<128xi32, #tpu.memory_space<vmem>>, %arg7: memref<128x768xf32, #tpu.memory_space<vmem>>, %arg8: memref<!tpu.dma_semaphore, #tpu.memory_space<semaphore_mem>>) attributes {dimension_semantics = [#tpu.dimension_semantics<core_parallel>, #tpu.dimension_semantics<subcore_parallel>], iteration_bounds = array<i64: 2, 16>, scalar_prefetch = 0 : i64, scratch_operands = 3 : i64, tpu.core_type = #tpu.core_type<sc_vector_subcore>, window_params = [{transform_indices = #map}, {transform_indices = #map1}, {transform_indices = #map1}, {transform_indices = #map1}]} {
    %mul3A = arith.constant 2 : i32
    %mul3A_0 = arith.muli %arg1, %mul3A : i32
    %add3A = arith.addi %mul3A_0, %arg0 : i32
    %mul3A_1 = arith.constant 128 : i32
    %mul3A_2 = arith.muli %add3A, %mul3A_1 : i32
    "tpu.region"() ({
      %run_scoped3A = tpu.sem_alloc : memref<!tpu.dma_semaphore, #tpu.memory_space<semaphore_mem>>
      %dma_start3A_7 = tpu.memref_slice %arg2[%mul3A_2] : memref<4096xi32, #tpu.memory_space<hbm>> -> memref<128xi32, #tpu.memory_space<hbm>>
      %dma_start3A_8 = tpu.memref_slice %arg2[%mul3A_2] : memref<4096xi32, #tpu.memory_space<hbm>> -> memref<128xi32, #tpu.memory_space<hbm>>
      tpu.enqueue_dma source(%dma_start3A_8 : memref<128xi32, #tpu.memory_space<hbm>>) target(%arg6 : memref<128xi32, #tpu.memory_space<vmem>>) target_semaphore(%run_scoped3A : memref<!tpu.dma_semaphore, #tpu.memory_space<semaphore_mem>>)
      %dma_wait3A_9 = tpu.memref_slice %arg2[%mul3A_2] : memref<4096xi32, #tpu.memory_space<hbm>> -> memref<128xi32, #tpu.memory_space<hbm>>
      %dma_wait3A_10 = tpu.memref_slice %arg2[%mul3A_2] : memref<4096xi32, #tpu.memory_space<hbm>> -> memref<128xi32, #tpu.memory_space<hbm>>
      tpu.wait_dma2 semaphore(%run_scoped3A : memref<!tpu.dma_semaphore, #tpu.memory_space<semaphore_mem>>) src(%dma_wait3A_10 : memref<128xi32, #tpu.memory_space<hbm>>) dst(%arg6 : memref<128xi32, #tpu.memory_space<vmem>>)
      tpu.yield
    }) : () -> ()
    "tpu.region"() ({
      %run_scoped3A = tpu.sem_alloc : memref<!tpu.dma_semaphore, #tpu.memory_space<semaphore_mem>>
      %dma_start3A_7 = arith.constant 0 : i32
      %dma_start3A_8 = tpu.memref_slice %arg3[%mul3A_2, %dma_start3A_7] : memref<4096x768xf32, #tpu.memory_space<hbm>> -> memref<128x768xf32, #tpu.memory_space<hbm>>
      %dma_start3A_9 = arith.constant 0 : i32
      %dma_start3A_10 = tpu.memref_slice %arg3[%mul3A_2, %dma_start3A_9] : memref<4096x768xf32, #tpu.memory_space<hbm>> -> memref<128x768xf32, #tpu.memory_space<hbm>>
      tpu.enqueue_dma source(%dma_start3A_10 : memref<128x768xf32, #tpu.memory_space<hbm>>) target(%arg7 : memref<128x768xf32, #tpu.memory_space<vmem>>) target_semaphore(%run_scoped3A : memref<!tpu.dma_semaphore, #tpu.memory_space<semaphore_mem>>)
      %dma_wait3A_11 = arith.constant 0 : i32
      %dma_wait3A_12 = tpu.memref_slice %arg3[%mul3A_2, %dma_wait3A_11] : memref<4096x768xf32, #tpu.memory_space<hbm>> -> memref<128x768xf32, #tpu.memory_space<hbm>>
      %dma_wait3A_13 = arith.constant 0 : i32
      %dma_wait3A_14 = tpu.memref_slice %arg3[%mul3A_2, %dma_wait3A_13] : memref<4096x768xf32, #tpu.memory_space<hbm>> -> memref<128x768xf32, #tpu.memory_space<hbm>>
      tpu.wait_dma2 semaphore(%run_scoped3A : memref<!tpu.dma_semaphore, #tpu.memory_space<semaphore_mem>>) src(%dma_wait3A_14 : memref<128x768xf32, #tpu.memory_space<hbm>>) dst(%arg7 : memref<128x768xf32, #tpu.memory_space<vmem>>)
      tpu.yield
    }) : () -> ()
    %dma_start3A = arith.constant 0 : i32
    %dma_start3A_3 = arith.constant 0 : i32
    %dma_start3A_4 = tpu.memref_slice %arg4[%dma_start3A, %dma_start3A_3] : memref<32768x768xf32, #tpu.memory_space<hbm>> -> memref<32768x768xf32, #tpu.memory_space<hbm>>
    tpu.enqueue_indirect_dma source(%arg7 : memref<128x768xf32, #tpu.memory_space<vmem>>) target(%dma_start3A_4 : memref<32768x768xf32, #tpu.memory_space<hbm>>) offsets(%arg6 : memref<128xi32, #tpu.memory_space<vmem>>) semaphore(%arg8 : memref<!tpu.dma_semaphore, #tpu.memory_space<semaphore_mem>>)
    %dma_wait3A = arith.constant 0 : i32
    %dma_wait3A_5 = arith.constant 0 : i32
    %dma_wait3A_6 = tpu.memref_slice %arg4[%dma_wait3A, %dma_wait3A_5] : memref<32768x768xf32, #tpu.memory_space<hbm>> -> memref<32768x768xf32, #tpu.memory_space<hbm>>
    tpu.wait_indirect_dma semaphore(%arg8 : memref<!tpu.dma_semaphore, #tpu.memory_space<semaphore_mem>>) src(%arg7 : memref<128x768xf32, #tpu.memory_space<vmem>>) dst(%dma_wait3A_6 : memref<32768x768xf32, #tpu.memory_space<hbm>>)
    return
  }
}

#map = affine_map<(d0, d1) -> (0, 0)>
#map1 = affine_map<(d0, d1) -> (0)>
module attributes {stable_mosaic.version = 14 : i64} {
  func.func @compact_gather(%arg0: i32, %arg1: i32, %arg2: memref<4x8192xf32, #tpu.memory_space<hbm>>, %arg3: memref<4x16xf32, #tpu.memory_space<hbm>>, %arg4: memref<32768x768xf32, #tpu.memory_space<hbm>>, %arg5: memref<4096xi32, #tpu.memory_space<hbm>>, %arg6: memref<4096x768xf32, #tpu.memory_space<hbm>>, %arg7: memref<8192xf32, #tpu.memory_space<vmem>>, %arg8: memref<16xf32, #tpu.memory_space<vmem>>, %arg9: memref<2064xi32, #tpu.memory_space<vmem>>, %arg10: memref<1040xi32, #tpu.memory_space<vmem>>, %arg11: memref<128xi32, #tpu.memory_space<vmem>>, %arg12: memref<128x768xf32, #tpu.memory_space<vmem>>, %arg13: memref<2048xi32, #tpu.memory_space<vmem_shared>>, %arg14: memref<!tpu.dma_semaphore, #tpu.memory_space<semaphore_mem>>) attributes {dimension_semantics = [#tpu.dimension_semantics<core_parallel>, #tpu.dimension_semantics<subcore_parallel>], iteration_bounds = array<i64: 2, 16>, scalar_prefetch = 0 : i64, scratch_operands = 8 : i64, tpu.core_type = #tpu.core_type<sc_vector_subcore>, window_params = [{transform_indices = #map}, {transform_indices = #map}, {transform_indices = #map}, {transform_indices = #map1}, {transform_indices = #map}]} {
    %mul3A = arith.constant 16 : i32
    %mul3A_0 = arith.muli %arg0, %mul3A : i32
    %add3A = arith.addi %mul3A_0, %arg1 : i32
    %eq3A = arith.constant 0 : i32
    %eq3A_1 = arith.cmpi eq, %arg1, %eq3A : i32
    %eq3A_2 = arith.constant 8 : i32
    %eq3A_3 = arith.cmpi eq, %arg1, %eq3A_2 : i32
    %or3A = arith.ori %eq3A_1, %eq3A_3 : i1
    %convert_element_type3A = arith.extui %or3A : i1 to i32
    %cond3A = arith.constant 0 : i32
    %cond3A_4 = arith.cmpi ne, %convert_element_type3A, %cond3A : i32
    scf.if %cond3A_4 {
      %mul3A_21 = arith.constant 2 : i32
      %mul3A_22 = arith.muli %arg0, %mul3A_21 : i32
      %jit3A = arith.constant 8 : i32
      %div3A = arith.divsi %arg1, %jit3A : i32
      %sign3A = arith.constant 0 : i32
      %sign3A_23 = arith.cmpi sgt, %arg1, %sign3A : i32
      %sign3A_24 = arith.extui %sign3A_23 : i1 to i32
      %sign3A_25 = arith.constant 0 : i32
      %sign3A_26 = arith.cmpi slt, %arg1, %sign3A_25 : i32
      %sign3A_27 = arith.extui %sign3A_26 : i1 to i32
      %sign3A_28 = arith.subi %sign3A_24, %sign3A_27 : i32
      %sign3A_29 = arith.constant 0 : i32
      %sign3A_30 = arith.cmpi sgt, %jit3A, %sign3A_29 : i32
      %sign3A_31 = arith.extui %sign3A_30 : i1 to i32
      %sign3A_32 = arith.constant 0 : i32
      %sign3A_33 = arith.cmpi slt, %jit3A, %sign3A_32 : i32
      %sign3A_34 = arith.extui %sign3A_33 : i1 to i32
      %sign3A_35 = arith.subi %sign3A_31, %sign3A_34 : i32
      %ne3A = arith.cmpi ne, %sign3A_28, %sign3A_35 : i32
      %rem3A = arith.remsi %arg1, %jit3A : i32
      %ne3A_36 = arith.constant 0 : i32
      %ne3A_37 = arith.cmpi ne, %rem3A, %ne3A_36 : i32
      %and3A = arith.andi %ne3A, %ne3A_37 : i1
      %sub3A = arith.constant 1 : i32
      %sub3A_38 = arith.subi %div3A, %sub3A : i32
      %select_n3A = arith.select %and3A, %sub3A_38, %div3A : i32
      %add3A_39 = arith.addi %mul3A_22, %select_n3A : i32
      "tpu.region"() ({
        %run_scoped3A = tpu.sem_alloc : memref<!tpu.dma_semaphore, #tpu.memory_space<semaphore_mem>>
        %dma_start3A_82 = arith.constant 0 : i32
        %dma_start3A_83 = tpu.memref_slice %arg2[%add3A_39, %dma_start3A_82] : memref<4x8192xf32, #tpu.memory_space<hbm>> -> memref<1x8192xf32, #tpu.memory_space<hbm>>
        %dma_start3A_84 = tpu.memref_squeeze %dma_start3A_83 : memref<1x8192xf32, #tpu.memory_space<hbm>> -> memref<8192xf32, #tpu.memory_space<hbm>>
        %dma_start3A_85 = arith.constant 0 : i32
        %dma_start3A_86 = tpu.memref_slice %arg2[%add3A_39, %dma_start3A_85] : memref<4x8192xf32, #tpu.memory_space<hbm>> -> memref<1x8192xf32, #tpu.memory_space<hbm>>
        %dma_start3A_87 = tpu.memref_squeeze %dma_start3A_86 : memref<1x8192xf32, #tpu.memory_space<hbm>> -> memref<8192xf32, #tpu.memory_space<hbm>>
        tpu.enqueue_dma source(%dma_start3A_87 : memref<8192xf32, #tpu.memory_space<hbm>>) target(%arg7 : memref<8192xf32, #tpu.memory_space<vmem>>) target_semaphore(%run_scoped3A : memref<!tpu.dma_semaphore, #tpu.memory_space<semaphore_mem>>)
        %dma_wait3A_88 = arith.constant 0 : i32
        %dma_wait3A_89 = tpu.memref_slice %arg2[%add3A_39, %dma_wait3A_88] : memref<4x8192xf32, #tpu.memory_space<hbm>> -> memref<1x8192xf32, #tpu.memory_space<hbm>>
        %dma_wait3A_90 = tpu.memref_squeeze %dma_wait3A_89 : memref<1x8192xf32, #tpu.memory_space<hbm>> -> memref<8192xf32, #tpu.memory_space<hbm>>
        %dma_wait3A_91 = arith.constant 0 : i32
        %dma_wait3A_92 = tpu.memref_slice %arg2[%add3A_39, %dma_wait3A_91] : memref<4x8192xf32, #tpu.memory_space<hbm>> -> memref<1x8192xf32, #tpu.memory_space<hbm>>
        %dma_wait3A_93 = tpu.memref_squeeze %dma_wait3A_92 : memref<1x8192xf32, #tpu.memory_space<hbm>> -> memref<8192xf32, #tpu.memory_space<hbm>>
        tpu.wait_dma2 semaphore(%run_scoped3A : memref<!tpu.dma_semaphore, #tpu.memory_space<semaphore_mem>>) src(%dma_wait3A_93 : memref<8192xf32, #tpu.memory_space<hbm>>) dst(%arg7 : memref<8192xf32, #tpu.memory_space<vmem>>)
        tpu.yield
      }) : () -> ()
      "tpu.region"() ({
        %run_scoped3A = tpu.sem_alloc : memref<!tpu.dma_semaphore, #tpu.memory_space<semaphore_mem>>
        %dma_start3A_82 = arith.constant 0 : i32
        %dma_start3A_83 = tpu.memref_slice %arg3[%add3A_39, %dma_start3A_82] : memref<4x16xf32, #tpu.memory_space<hbm>> -> memref<1x16xf32, #tpu.memory_space<hbm>>
        %dma_start3A_84 = tpu.memref_squeeze %dma_start3A_83 : memref<1x16xf32, #tpu.memory_space<hbm>> -> memref<16xf32, #tpu.memory_space<hbm>>
        %dma_start3A_85 = arith.constant 0 : i32
        %dma_start3A_86 = tpu.memref_slice %arg3[%add3A_39, %dma_start3A_85] : memref<4x16xf32, #tpu.memory_space<hbm>> -> memref<1x16xf32, #tpu.memory_space<hbm>>
        %dma_start3A_87 = tpu.memref_squeeze %dma_start3A_86 : memref<1x16xf32, #tpu.memory_space<hbm>> -> memref<16xf32, #tpu.memory_space<hbm>>
        tpu.enqueue_dma source(%dma_start3A_87 : memref<16xf32, #tpu.memory_space<hbm>>) target(%arg8 : memref<16xf32, #tpu.memory_space<vmem>>) target_semaphore(%run_scoped3A : memref<!tpu.dma_semaphore, #tpu.memory_space<semaphore_mem>>)
        %dma_wait3A_88 = arith.constant 0 : i32
        %dma_wait3A_89 = tpu.memref_slice %arg3[%add3A_39, %dma_wait3A_88] : memref<4x16xf32, #tpu.memory_space<hbm>> -> memref<1x16xf32, #tpu.memory_space<hbm>>
        %dma_wait3A_90 = tpu.memref_squeeze %dma_wait3A_89 : memref<1x16xf32, #tpu.memory_space<hbm>> -> memref<16xf32, #tpu.memory_space<hbm>>
        %dma_wait3A_91 = arith.constant 0 : i32
        %dma_wait3A_92 = tpu.memref_slice %arg3[%add3A_39, %dma_wait3A_91] : memref<4x16xf32, #tpu.memory_space<hbm>> -> memref<1x16xf32, #tpu.memory_space<hbm>>
        %dma_wait3A_93 = tpu.memref_squeeze %dma_wait3A_92 : memref<1x16xf32, #tpu.memory_space<hbm>> -> memref<16xf32, #tpu.memory_space<hbm>>
        tpu.wait_dma2 semaphore(%run_scoped3A : memref<!tpu.dma_semaphore, #tpu.memory_space<semaphore_mem>>) src(%dma_wait3A_93 : memref<16xf32, #tpu.memory_space<hbm>>) dst(%arg8 : memref<16xf32, #tpu.memory_space<vmem>>)
        tpu.yield
      }) : () -> ()
      %get3A = arith.constant 0 : index
      %get3A_40 = tpu.vector_load %arg8[%get3A] {strides = array<i32>} : memref<16xf32, #tpu.memory_space<vmem>>, vector<16xf32>,
      %iota3A = tpu.iota {dimensions = array<i32: 0>} : vector<16xi32>
      %mul3A_41 = arith.constant 8192 : i32
      %mul3A_42 = arith.muli %add3A_39, %mul3A_41 : i32
      %scan3A = arith.constant 0 : i32
      %scan3A_43 = arith.constant 0 : i32
      %scan3A_44 = arith.constant 0 : i32
      %scan3A_45 = arith.constant 512 : i32
      %scan3A_46 = arith.addi %scan3A_44, %scan3A_45 : i32
      %scan3A_47 = arith.constant 1 : i32
      %scan3A_48:2 = scf.for %scan3A_82 = %scan3A_44 to %scan3A_46 step %scan3A_47 iter_args(%scan3A_83 = %scan3A, %scan3A_84 = %scan3A_43) -> (i32, i32)  : i32 {
        %mul3A_85 = arith.constant 16 : i32
        %mul3A_86 = arith.muli %scan3A_82, %mul3A_85 : i32
        %get3A_87 = arith.index_cast %mul3A_86 : i32 to index
        %get3A_88 = tpu.vector_load %arg7[%get3A_87] {strides = array<i32>} : memref<8192xf32, #tpu.memory_space<vmem>>, vector<16xf32>,
        %mul3A_89 = arith.constant 16 : i32
        %mul3A_90 = arith.muli %scan3A_82, %mul3A_89 : i32
        %add3A_91 = arith.addi %mul3A_42, %mul3A_90 : i32
        %add3A_92 = vector.broadcast %add3A_91 : i32 to vector<16xi32>
        %add3A_93 = arith.addi %iota3A, %add3A_92 : vector<16xi32>
        %gt3A = arith.cmpf ogt, %get3A_88, %get3A_40 : vector<16xf32>
        %convert_element_type3A_94 = arith.extui %gt3A : vector<16xi1> to vector<16xi32>
        %broadcast_in_dim3A = arith.constant true
        %broadcast_in_dim3A_95 = vector.broadcast %broadcast_in_dim3A : i1 to vector<16xi1>
        %masked_cumsum3A = tpu.scan <sum>, %convert_element_type3A_94 masked %broadcast_in_dim3A_95 : vector<16xi32>, vector<16xi1> -> vector<16xi32>
        %add3A_96 = vector.broadcast %scan3A_83 : i32 to vector<16xi32>
        %add3A_97 = arith.addi %add3A_96, %masked_cumsum3A : vector<16xi32>
        %sub3A_98 = arith.constant 1 : i32
        %sub3A_99 = vector.broadcast %sub3A_98 : i32 to vector<16xi32>
        %sub3A_100 = arith.subi %add3A_97, %sub3A_99 : vector<16xi32>
        %jit3A_101 = arith.constant 2063 : i32
        %broadcast_in_dim3A_102 = vector.broadcast %jit3A_101 : i32 to vector<16xi32>
        %select_n3A_103 = arith.select %gt3A, %sub3A_100, %broadcast_in_dim3A_102 : vector<16xi1>, vector<16xi32>
        tpu.vector_store_idx %arg9[%select_n3A_103], %add3A_93 : memref<2064xi32, #tpu.memory_space<vmem>>[vector<16xi32>], vector<16xi32>,
        %reduce_sum3A = arith.constant true
        %reduce_sum3A_104 = vector.broadcast %reduce_sum3A : i1 to vector<16xi1>
        %reduce_sum3A_105 = tpu.scan <sum>, %convert_element_type3A_94 masked %reduce_sum3A_104 : vector<16xi32>, vector<16xi1> -> vector<16xi32>
        %reduce_sum3A_106 = vector.extract %reduce_sum3A_105[15] : i32 from vector<16xi32>
        %eq3A_107 = arith.cmpf oeq, %get3A_88, %get3A_40 : vector<16xf32>
        %convert_element_type3A_108 = arith.extui %eq3A_107 : vector<16xi1> to vector<16xi32>
        %broadcast_in_dim3A_109 = arith.constant true
        %broadcast_in_dim3A_110 = vector.broadcast %broadcast_in_dim3A_109 : i1 to vector<16xi1>
        %masked_cumsum3A_111 = tpu.scan <sum>, %convert_element_type3A_108 masked %broadcast_in_dim3A_110 : vector<16xi32>, vector<16xi1> -> vector<16xi32>
        %add3A_112 = vector.broadcast %scan3A_84 : i32 to vector<16xi32>
        %add3A_113 = arith.addi %add3A_112, %masked_cumsum3A_111 : vector<16xi32>
        %sub3A_114 = arith.constant 1 : i32
        %sub3A_115 = vector.broadcast %sub3A_114 : i32 to vector<16xi32>
        %sub3A_116 = arith.subi %add3A_113, %sub3A_115 : vector<16xi32>
        %lt3A = arith.constant 1024 : i32
        %lt3A_117 = vector.broadcast %lt3A : i32 to vector<16xi32>
        %lt3A_118 = arith.cmpi slt, %sub3A_116, %lt3A_117 : vector<16xi32>
        %and3A_119 = arith.andi %eq3A_107, %lt3A_118 : vector<16xi1>
        %jit3A_120 = arith.constant 1024 : i32
        %broadcast_in_dim3A_121 = vector.broadcast %jit3A_120 : i32 to vector<16xi32>
        %select_n3A_122 = arith.select %and3A_119, %sub3A_116, %broadcast_in_dim3A_121 : vector<16xi1>, vector<16xi32>
        tpu.vector_store_idx %arg10[%select_n3A_122], %add3A_93 : memref<1040xi32, #tpu.memory_space<vmem>>[vector<16xi32>], vector<16xi32>,
        %reduce_sum3A_123 = arith.constant true
        %reduce_sum3A_124 = vector.broadcast %reduce_sum3A_123 : i1 to vector<16xi1>
        %reduce_sum3A_125 = tpu.scan <sum>, %convert_element_type3A_108 masked %reduce_sum3A_124 : vector<16xi32>, vector<16xi1> -> vector<16xi32>
        %reduce_sum3A_126 = vector.extract %reduce_sum3A_125[15] : i32 from vector<16xi32>
        %add3A_127 = arith.addi %scan3A_83, %reduce_sum3A_106 : i32
        %add3A_128 = arith.addi %scan3A_84, %reduce_sum3A_126 : i32
        scf.yield %add3A_127, %add3A_128 : i32, i32
      }
      %scan3A_49 = arith.constant 512 : i32
      %scan3A_50 = arith.constant 0 : i32
      %scan3A_51 = arith.constant 0 : i32
      %scan3A_52 = arith.constant 64 : i32
      %scan3A_53 = arith.addi %scan3A_51, %scan3A_52 : i32
      %scan3A_54 = arith.constant 1 : i32
      scf.for %scan3A_82 = %scan3A_51 to %scan3A_53 step %scan3A_54  : i32 {
        %mul3A_83 = arith.constant 16 : i32
        %mul3A_84 = arith.muli %scan3A_82, %mul3A_83 : i32
        %get3A_85 = arith.index_cast %mul3A_84 : i32 to index
        %get3A_86 = tpu.vector_load %arg10[%get3A_85] {strides = array<i32>} : memref<1040xi32, #tpu.memory_space<vmem>>, vector<16xi32>,
        %mul3A_87 = arith.constant 16 : i32
        %mul3A_88 = arith.muli %scan3A_82, %mul3A_87 : i32
        %add3A_89 = arith.addi %scan3A_48#0, %mul3A_88 : i32
        %swap3A = arith.index_cast %add3A_89 : i32 to index
        %swap3A_90 = tpu.vector_load %arg9[%swap3A] {strides = array<i32>} : memref<2064xi32, #tpu.memory_space<vmem>>, vector<16xi32>,
        tpu.vector_store %arg9[%swap3A], %get3A_86 {strides = array<i32>} : memref<2064xi32, #tpu.memory_space<vmem>>, vector<16xi32>,
      }
      %scan3A_55 = arith.constant 64 : i32
      %jit3A_56 = arith.constant 8 : i32
      %div3A_57 = arith.divsi %arg1, %jit3A_56 : i32
      %sign3A_58 = arith.constant 0 : i32
      %sign3A_59 = arith.cmpi sgt, %arg1, %sign3A_58 : i32
      %sign3A_60 = arith.extui %sign3A_59 : i1 to i32
      %sign3A_61 = arith.constant 0 : i32
      %sign3A_62 = arith.cmpi slt, %arg1, %sign3A_61 : i32
      %sign3A_63 = arith.extui %sign3A_62 : i1 to i32
      %sign3A_64 = arith.subi %sign3A_60, %sign3A_63 : i32
      %sign3A_65 = arith.constant 0 : i32
      %sign3A_66 = arith.cmpi sgt, %jit3A_56, %sign3A_65 : i32
      %sign3A_67 = arith.extui %sign3A_66 : i1 to i32
      %sign3A_68 = arith.constant 0 : i32
      %sign3A_69 = arith.cmpi slt, %jit3A_56, %sign3A_68 : i32
      %sign3A_70 = arith.extui %sign3A_69 : i1 to i32
      %sign3A_71 = arith.subi %sign3A_67, %sign3A_70 : i32
      %ne3A_72 = arith.cmpi ne, %sign3A_64, %sign3A_71 : i32
      %rem3A_73 = arith.remsi %arg1, %jit3A_56 : i32
      %ne3A_74 = arith.constant 0 : i32
      %ne3A_75 = arith.cmpi ne, %rem3A_73, %ne3A_74 : i32
      %and3A_76 = arith.andi %ne3A_72, %ne3A_75 : i1
      %sub3A_77 = arith.constant 1 : i32
      %sub3A_78 = arith.subi %div3A_57, %sub3A_77 : i32
      %select_n3A_79 = arith.select %and3A_76, %sub3A_78, %div3A_57 : i32
      %mul3A_80 = arith.constant 1024 : i32
      %mul3A_81 = arith.muli %select_n3A_79, %mul3A_80 : i32
      "tpu.region"() ({
        %run_scoped3A = tpu.sem_alloc : memref<!tpu.dma_semaphore, #tpu.memory_space<semaphore_mem>>
        %dma_start3A_82 = arith.constant 0 : i32
        %dma_start3A_83 = tpu.memref_slice %arg9[%dma_start3A_82] : memref<2064xi32, #tpu.memory_space<vmem>> -> memref<1024xi32, #tpu.memory_space<vmem>>
        %dma_start3A_84 = tpu.memref_slice %arg13[%mul3A_81] : memref<2048xi32, #tpu.memory_space<vmem_shared>> -> memref<1024xi32, #tpu.memory_space<vmem_shared>>
        %dma_start3A_85 = tpu.memref_slice %arg13[%mul3A_81] : memref<2048xi32, #tpu.memory_space<vmem_shared>> -> memref<1024xi32, #tpu.memory_space<vmem_shared>>
        %dma_start3A_86 = arith.constant 0 : i32
        %dma_start3A_87 = tpu.memref_slice %arg9[%dma_start3A_86] : memref<2064xi32, #tpu.memory_space<vmem>> -> memref<1024xi32, #tpu.memory_space<vmem>>
        tpu.enqueue_dma source(%dma_start3A_87 : memref<1024xi32, #tpu.memory_space<vmem>>) target(%dma_start3A_85 : memref<1024xi32, #tpu.memory_space<vmem_shared>>) target_semaphore(%run_scoped3A : memref<!tpu.dma_semaphore, #tpu.memory_space<semaphore_mem>>)
        %dma_wait3A_88 = arith.constant 0 : i32
        %dma_wait3A_89 = tpu.memref_slice %arg9[%dma_wait3A_88] : memref<2064xi32, #tpu.memory_space<vmem>> -> memref<1024xi32, #tpu.memory_space<vmem>>
        %dma_wait3A_90 = tpu.memref_slice %arg13[%mul3A_81] : memref<2048xi32, #tpu.memory_space<vmem_shared>> -> memref<1024xi32, #tpu.memory_space<vmem_shared>>
        %dma_wait3A_91 = tpu.memref_slice %arg13[%mul3A_81] : memref<2048xi32, #tpu.memory_space<vmem_shared>> -> memref<1024xi32, #tpu.memory_space<vmem_shared>>
        %dma_wait3A_92 = arith.constant 0 : i32
        %dma_wait3A_93 = tpu.memref_slice %arg9[%dma_wait3A_92] : memref<2064xi32, #tpu.memory_space<vmem>> -> memref<1024xi32, #tpu.memory_space<vmem>>
        tpu.wait_dma2 semaphore(%run_scoped3A : memref<!tpu.dma_semaphore, #tpu.memory_space<semaphore_mem>>) src(%dma_wait3A_93 : memref<1024xi32, #tpu.memory_space<vmem>>) dst(%dma_wait3A_91 : memref<1024xi32, #tpu.memory_space<vmem_shared>>)
        tpu.yield
      }) : () -> ()
    } else {
    }
    %barrier3A = arith.constant 0 : index
    tpu.barrier barrier_id(%barrier3A)
    %mul3A_5 = arith.constant 128 : i32
    %mul3A_6 = arith.muli %arg1, %mul3A_5 : i32
    "tpu.region"() ({
      %run_scoped3A = tpu.sem_alloc : memref<!tpu.dma_semaphore, #tpu.memory_space<semaphore_mem>>
      %dma_start3A_21 = tpu.memref_slice %arg13[%mul3A_6] : memref<2048xi32, #tpu.memory_space<vmem_shared>> -> memref<128xi32, #tpu.memory_space<vmem_shared>>
      %dma_start3A_22 = tpu.memref_slice %arg13[%mul3A_6] : memref<2048xi32, #tpu.memory_space<vmem_shared>> -> memref<128xi32, #tpu.memory_space<vmem_shared>>
      tpu.enqueue_dma source(%dma_start3A_22 : memref<128xi32, #tpu.memory_space<vmem_shared>>) target(%arg11 : memref<128xi32, #tpu.memory_space<vmem>>) target_semaphore(%run_scoped3A : memref<!tpu.dma_semaphore, #tpu.memory_space<semaphore_mem>>)
      %dma_wait3A_23 = tpu.memref_slice %arg13[%mul3A_6] : memref<2048xi32, #tpu.memory_space<vmem_shared>> -> memref<128xi32, #tpu.memory_space<vmem_shared>>
      %dma_wait3A_24 = tpu.memref_slice %arg13[%mul3A_6] : memref<2048xi32, #tpu.memory_space<vmem_shared>> -> memref<128xi32, #tpu.memory_space<vmem_shared>>
      tpu.wait_dma2 semaphore(%run_scoped3A : memref<!tpu.dma_semaphore, #tpu.memory_space<semaphore_mem>>) src(%dma_wait3A_24 : memref<128xi32, #tpu.memory_space<vmem_shared>>) dst(%arg11 : memref<128xi32, #tpu.memory_space<vmem>>)
      tpu.yield
    }) : () -> ()
    %dma_start3A = arith.constant 0 : i32
    %dma_start3A_7 = arith.constant 0 : i32
    %dma_start3A_8 = tpu.memref_slice %arg4[%dma_start3A, %dma_start3A_7] : memref<32768x768xf32, #tpu.memory_space<hbm>> -> memref<32768x768xf32, #tpu.memory_space<hbm>>
    tpu.enqueue_indirect_dma source(%dma_start3A_8 : memref<32768x768xf32, #tpu.memory_space<hbm>>) target(%arg12 : memref<128x768xf32, #tpu.memory_space<vmem>>) offsets(%arg11 : memref<128xi32, #tpu.memory_space<vmem>>) semaphore(%arg14 : memref<!tpu.dma_semaphore, #tpu.memory_space<semaphore_mem>>)
    %dma_wait3A = arith.constant 0 : i32
    %dma_wait3A_9 = arith.constant 0 : i32
    %dma_wait3A_10 = tpu.memref_slice %arg4[%dma_wait3A, %dma_wait3A_9] : memref<32768x768xf32, #tpu.memory_space<hbm>> -> memref<32768x768xf32, #tpu.memory_space<hbm>>
    tpu.wait_indirect_dma semaphore(%arg14 : memref<!tpu.dma_semaphore, #tpu.memory_space<semaphore_mem>>) src(%dma_wait3A_10 : memref<32768x768xf32, #tpu.memory_space<hbm>>) dst(%arg12 : memref<128x768xf32, #tpu.memory_space<vmem>>)
    %mul3A_11 = arith.constant 128 : i32
    %mul3A_12 = arith.muli %add3A, %mul3A_11 : i32
    "tpu.region"() ({
      %run_scoped3A = tpu.sem_alloc : memref<!tpu.dma_semaphore, #tpu.memory_space<semaphore_mem>>
      %dma_start3A_21 = arith.constant 0 : i32
      %dma_start3A_22 = tpu.memref_slice %arg6[%mul3A_12, %dma_start3A_21] : memref<4096x768xf32, #tpu.memory_space<hbm>> -> memref<128x768xf32, #tpu.memory_space<hbm>>
      %dma_start3A_23 = arith.constant 0 : i32
      %dma_start3A_24 = tpu.memref_slice %arg6[%mul3A_12, %dma_start3A_23] : memref<4096x768xf32, #tpu.memory_space<hbm>> -> memref<128x768xf32, #tpu.memory_space<hbm>>
      tpu.enqueue_dma source(%arg12 : memref<128x768xf32, #tpu.memory_space<vmem>>) target(%dma_start3A_24 : memref<128x768xf32, #tpu.memory_space<hbm>>) target_semaphore(%run_scoped3A : memref<!tpu.dma_semaphore, #tpu.memory_space<semaphore_mem>>)
      %dma_wait3A_25 = arith.constant 0 : i32
      %dma_wait3A_26 = tpu.memref_slice %arg6[%mul3A_12, %dma_wait3A_25] : memref<4096x768xf32, #tpu.memory_space<hbm>> -> memref<128x768xf32, #tpu.memory_space<hbm>>
      %dma_wait3A_27 = arith.constant 0 : i32
      %dma_wait3A_28 = tpu.memref_slice %arg6[%mul3A_12, %dma_wait3A_27] : memref<4096x768xf32, #tpu.memory_space<hbm>> -> memref<128x768xf32, #tpu.memory_space<hbm>>
      tpu.wait_dma2 semaphore(%run_scoped3A : memref<!tpu.dma_semaphore, #tpu.memory_space<semaphore_mem>>) src(%arg12 : memref<128x768xf32, #tpu.memory_space<vmem>>) dst(%dma_wait3A_28 : memref<128x768xf32, #tpu.memory_space<hbm>>)
      tpu.yield
    }) : () -> ()
    %eq3A_13 = arith.constant 0 : i32
    %eq3A_14 = arith.cmpi eq, %arg1, %eq3A_13 : i32
    %eq3A_15 = arith.constant 8 : i32
    %eq3A_16 = arith.cmpi eq, %arg1, %eq3A_15 : i32
    %or3A_17 = arith.ori %eq3A_14, %eq3A_16 : i1
    %convert_element_type3A_18 = arith.extui %or3A_17 : i1 to i32
    %cond3A_19 = arith.constant 0 : i32
    %cond3A_20 = arith.cmpi ne, %convert_element_type3A_18, %cond3A_19 : i32
    scf.if %cond3A_20 {
      %mul3A_21 = arith.constant 2 : i32
      %mul3A_22 = arith.muli %arg0, %mul3A_21 : i32
      %jit3A = arith.constant 8 : i32
      %div3A = arith.divsi %arg1, %jit3A : i32
      %sign3A = arith.constant 0 : i32
      %sign3A_23 = arith.cmpi sgt, %arg1, %sign3A : i32
      %sign3A_24 = arith.extui %sign3A_23 : i1 to i32
      %sign3A_25 = arith.constant 0 : i32
      %sign3A_26 = arith.cmpi slt, %arg1, %sign3A_25 : i32
      %sign3A_27 = arith.extui %sign3A_26 : i1 to i32
      %sign3A_28 = arith.subi %sign3A_24, %sign3A_27 : i32
      %sign3A_29 = arith.constant 0 : i32
      %sign3A_30 = arith.cmpi sgt, %jit3A, %sign3A_29 : i32
      %sign3A_31 = arith.extui %sign3A_30 : i1 to i32
      %sign3A_32 = arith.constant 0 : i32
      %sign3A_33 = arith.cmpi slt, %jit3A, %sign3A_32 : i32
      %sign3A_34 = arith.extui %sign3A_33 : i1 to i32
      %sign3A_35 = arith.subi %sign3A_31, %sign3A_34 : i32
      %ne3A = arith.cmpi ne, %sign3A_28, %sign3A_35 : i32
      %rem3A = arith.remsi %arg1, %jit3A : i32
      %ne3A_36 = arith.constant 0 : i32
      %ne3A_37 = arith.cmpi ne, %rem3A, %ne3A_36 : i32
      %and3A = arith.andi %ne3A, %ne3A_37 : i1
      %sub3A = arith.constant 1 : i32
      %sub3A_38 = arith.subi %div3A, %sub3A : i32
      %select_n3A = arith.select %and3A, %sub3A_38, %div3A : i32
      %add3A_39 = arith.addi %mul3A_22, %select_n3A : i32
      %mul3A_40 = arith.constant 1024 : i32
      %mul3A_41 = arith.muli %add3A_39, %mul3A_40 : i32
      "tpu.region"() ({
        %run_scoped3A = tpu.sem_alloc : memref<!tpu.dma_semaphore, #tpu.memory_space<semaphore_mem>>
        %dma_start3A_42 = arith.constant 0 : i32
        %dma_start3A_43 = tpu.memref_slice %arg9[%dma_start3A_42] : memref<2064xi32, #tpu.memory_space<vmem>> -> memref<1024xi32, #tpu.memory_space<vmem>>
        %dma_start3A_44 = tpu.memref_slice %arg5[%mul3A_41] : memref<4096xi32, #tpu.memory_space<hbm>> -> memref<1024xi32, #tpu.memory_space<hbm>>
        %dma_start3A_45 = tpu.memref_slice %arg5[%mul3A_41] : memref<4096xi32, #tpu.memory_space<hbm>> -> memref<1024xi32, #tpu.memory_space<hbm>>
        %dma_start3A_46 = arith.constant 0 : i32
        %dma_start3A_47 = tpu.memref_slice %arg9[%dma_start3A_46] : memref<2064xi32, #tpu.memory_space<vmem>> -> memref<1024xi32, #tpu.memory_space<vmem>>
        tpu.enqueue_dma source(%dma_start3A_47 : memref<1024xi32, #tpu.memory_space<vmem>>) target(%dma_start3A_45 : memref<1024xi32, #tpu.memory_space<hbm>>) target_semaphore(%run_scoped3A : memref<!tpu.dma_semaphore, #tpu.memory_space<semaphore_mem>>)
        %dma_wait3A_48 = arith.constant 0 : i32
        %dma_wait3A_49 = tpu.memref_slice %arg9[%dma_wait3A_48] : memref<2064xi32, #tpu.memory_space<vmem>> -> memref<1024xi32, #tpu.memory_space<vmem>>
        %dma_wait3A_50 = tpu.memref_slice %arg5[%mul3A_41] : memref<4096xi32, #tpu.memory_space<hbm>> -> memref<1024xi32, #tpu.memory_space<hbm>>
        %dma_wait3A_51 = tpu.memref_slice %arg5[%mul3A_41] : memref<4096xi32, #tpu.memory_space<hbm>> -> memref<1024xi32, #tpu.memory_space<hbm>>
        %dma_wait3A_52 = arith.constant 0 : i32
        %dma_wait3A_53 = tpu.memref_slice %arg9[%dma_wait3A_52] : memref<2064xi32, #tpu.memory_space<vmem>> -> memref<1024xi32, #tpu.memory_space<vmem>>
        tpu.wait_dma2 semaphore(%run_scoped3A : memref<!tpu.dma_semaphore, #tpu.memory_space<semaphore_mem>>) src(%dma_wait3A_53 : memref<1024xi32, #tpu.memory_space<vmem>>) dst(%dma_wait3A_51 : memref<1024xi32, #tpu.memory_space<hbm>>)
        tpu.yield
      }) : () -> ()
    } else {
    }
    return
  }
}

module attributes {stable_mosaic.version = 14 : i64} {
  func.func @_prep_body(%arg0: memref<4x8192xf32, #tpu.memory_space<vmem>>, %arg1: memref<4x16xf32, #tpu.memory_space<vmem>>) attributes {dimension_semantics = [], scalar_prefetch = 0 : i64, scratch_operands = 0 : i64, tpu.core_type = #tpu.core_type<tc>} {
    %get3A = arith.constant 0 : index
    %get3A_0 = arith.constant 0 : index
    %get3A_1 = vector.load %arg0[%get3A, %get3A_0] : memref<4x8192xf32, #tpu.memory_space<vmem>>, vector<4x8192xf32>
    %bitcast_convert_type3A = tpu.bitcast %get3A_1 : vector<4x8192xf32> -> vector<4x8192xi32>
    %broadcast_in_dim3A = arith.constant 0 : i32
    %broadcast_in_dim3A_2 = vector.broadcast %broadcast_in_dim3A : i32 to vector<4x1xi32>
    %broadcast_in_dim3A_3 = arith.constant 2139095040 : i32
    %broadcast_in_dim3A_4 = vector.broadcast %broadcast_in_dim3A_3 : i32 to vector<4x1xi32>
    %scan3A = arith.constant 0 : i32
    %scan3A_5 = arith.constant 31 : i32
    %scan3A_6 = arith.addi %scan3A, %scan3A_5 : i32
    %scan3A_7 = arith.constant 1 : i32
    %scan3A_8:2 = scf.for %scan3A_14 = %scan3A to %scan3A_6 step %scan3A_7 iter_args(%scan3A_15 = %broadcast_in_dim3A_2, %scan3A_16 = %broadcast_in_dim3A_4) -> (vector<4x1xi32>, vector<4x1xi32>)  : i32 {
      %sub3A = arith.subi %scan3A_16, %scan3A_15 : vector<4x1xi32>
      %jit3A = arith.constant 2 : i32
      %div3A = vector.broadcast %jit3A : i32 to vector<4x1xi32>
      %div3A_17 = arith.divsi %sub3A, %div3A : vector<4x1xi32>
      %sign3A = arith.constant 0 : i32
      %sign3A_18 = vector.broadcast %sign3A : i32 to vector<4x1xi32>
      %sign3A_19 = arith.cmpi sgt, %sub3A, %sign3A_18 : vector<4x1xi32>
      %sign3A_20 = arith.extui %sign3A_19 : vector<4x1xi1> to vector<4x1xi32>
      %sign3A_21 = arith.constant 0 : i32
      %sign3A_22 = vector.broadcast %sign3A_21 : i32 to vector<4x1xi32>
      %sign3A_23 = arith.cmpi slt, %sub3A, %sign3A_22 : vector<4x1xi32>
      %sign3A_24 = arith.extui %sign3A_23 : vector<4x1xi1> to vector<4x1xi32>
      %sign3A_25 = arith.subi %sign3A_20, %sign3A_24 : vector<4x1xi32>
      %sign3A_26 = arith.constant 0 : i32
      %sign3A_27 = arith.cmpi sgt, %jit3A, %sign3A_26 : i32
      %sign3A_28 = arith.extui %sign3A_27 : i1 to i32
      %sign3A_29 = arith.constant 0 : i32
      %sign3A_30 = arith.cmpi slt, %jit3A, %sign3A_29 : i32
      %sign3A_31 = arith.extui %sign3A_30 : i1 to i32
      %sign3A_32 = arith.subi %sign3A_28, %sign3A_31 : i32
      %ne3A = vector.broadcast %sign3A_32 : i32 to vector<4x1xi32>
      %ne3A_33 = arith.cmpi ne, %sign3A_25, %ne3A : vector<4x1xi32>
      %rem3A = vector.broadcast %jit3A : i32 to vector<4x1xi32>
      %rem3A_34 = arith.remsi %sub3A, %rem3A : vector<4x1xi32>
      %ne3A_35 = arith.constant 0 : i32
      %ne3A_36 = vector.broadcast %ne3A_35 : i32 to vector<4x1xi32>
      %ne3A_37 = arith.cmpi ne, %rem3A_34, %ne3A_36 : vector<4x1xi32>
      %and3A = arith.andi %ne3A_33, %ne3A_37 : vector<4x1xi1>
      %sub3A_38 = arith.constant 1 : i32
      %sub3A_39 = vector.broadcast %sub3A_38 : i32 to vector<4x1xi32>
      %sub3A_40 = arith.subi %div3A_17, %sub3A_39 : vector<4x1xi32>
      %select_n3A = arith.select %and3A, %sub3A_40, %div3A_17 : vector<4x1xi1>, vector<4x1xi32>
      %add3A = arith.addi %scan3A_15, %select_n3A : vector<4x1xi32>
      %ge3A = vector.broadcast %add3A : vector<4x1xi32> to vector<4x8192xi32>
      %ge3A_41 = arith.cmpi sge, %bitcast_convert_type3A, %ge3A : vector<4x8192xi32>
      %convert_element_type3A = arith.extui %ge3A_41 : vector<4x8192xi1> to vector<4x8192xi32>
      %reduce_sum3A = arith.constant dense<0> : vector<4xi32>
      %reduce_sum3A_42 = vector.multi_reduction <add>, %convert_element_type3A, %reduce_sum3A [1] : vector<4x8192xi32> to vector<4xi32>
      %broadcast_in_dim3A_43 = vector.shape_cast %reduce_sum3A_42 : vector<4xi32> to vector<4x1xi32>
      %ge3A_44 = arith.constant 1024 : i32
      %ge3A_45 = vector.broadcast %ge3A_44 : i32 to vector<4x1xi32>
      %ge3A_46 = arith.cmpi sge, %broadcast_in_dim3A_43, %ge3A_45 : vector<4x1xi32>
      %select_n3A_47 = arith.select %ge3A_46, %add3A, %scan3A_15 : vector<4x1xi1>, vector<4x1xi32>
      %select_n3A_48 = arith.select %ge3A_46, %scan3A_16, %add3A : vector<4x1xi1>, vector<4x1xi32>
      scf.yield %select_n3A_47, %select_n3A_48 : vector<4x1xi32>, vector<4x1xi32>
    }
    %bitcast_convert_type3A_9 = tpu.bitcast %scan3A_8#0 : vector<4x1xi32> -> vector<4x1xf32>
    %broadcast_in_dim3A_10 = vector.shape_cast %bitcast_convert_type3A_9 : vector<4x1xf32> to vector<4x1xf32>
    %broadcast_in_dim3A_11 = vector.broadcast %broadcast_in_dim3A_10 : vector<4x1xf32> to vector<4x16xf32>
    %swap3A = arith.constant 0 : index
    %swap3A_12 = arith.constant 0 : index
    %swap3A_13 = vector.load %arg1[%swap3A, %swap3A_12] : memref<4x16xf32, #tpu.memory_space<vmem>>, vector<4x16xf32>
    tpu.vector_store %arg1[%swap3A, %swap3A_12], %broadcast_in_dim3A_11 {strides = array<i32>} : memref<4x16xf32, #tpu.memory_space<vmem>>, vector<4x16xf32>,
    return
  }
}

module attributes {stable_mosaic.version = 14 : i64} {
  func.func @_copy_a_body(%arg0: i32, %arg1: memref<4096x768xf32, #tpu.memory_space<vmem>>, %arg2: memref<4096x768xf32, #tpu.memory_space<vmem>>) attributes {dimension_semantics = [#tpu.dimension_semantics<arbitrary>], iteration_bounds = array<i64: 4>, scalar_prefetch = 0 : i64, scratch_operands = 0 : i64, tpu.core_type = #tpu.core_type<tc>, window_params = [{transform_indices = @transform_0, window_bounds = array<i64: 4096, 768>}, {transform_indices = @transform_1, window_bounds = array<i64: 4096, 768>}]} {
    %get3A = arith.constant 0 : index
    %get3A_0 = arith.constant 0 : index
    %get3A_1 = vector.load %arg1[%get3A, %get3A_0] : memref<4096x768xf32, #tpu.memory_space<vmem>>, vector<4096x768xf32>
    %swap3A = arith.constant 0 : index
    %swap3A_2 = arith.constant 0 : index
    %swap3A_3 = vector.load %arg2[%swap3A, %swap3A_2] : memref<4096x768xf32, #tpu.memory_space<vmem>>, vector<4096x768xf32>
    tpu.vector_store %arg2[%swap3A, %swap3A_2], %get3A_1 {strides = array<i32>} : memref<4096x768xf32, #tpu.memory_space<vmem>>, vector<4096x768xf32>,
    return
  }
  func.func @transform_0(%arg0: i32) -> (i32, i32) {
    %c0_i32 = arith.constant 0 : i32
    %c0_i32_0 = arith.constant 0 : i32
    return %arg0, %c0_i32 : i32, i32
  }
  func.func @transform_1(%arg0: i32) -> (i32, i32) {
    %c0_i32 = arith.constant 0 : i32
    %c0_i32_0 = arith.constant 0 : i32
    return %arg0, %c0_i32 : i32, i32
  }
}

module attributes {stable_mosaic.version = 14 : i64} {
  func.func @_fused_body(%arg0: i32, %arg1: memref<32768x768xf32, #tpu.memory_space<any>>, %arg2: memref<2048x768xf32, #tpu.memory_space<vmem>>, %arg3: memref<512x768xf32, #tpu.memory_space<vmem>>, %arg4: memref<768x3072xf32, #tpu.memory_space<vmem>>, %arg5: memref<1x3072xf32, #tpu.memory_space<vmem>>, %arg6: memref<3072x768xf32, #tpu.memory_space<vmem>>, %arg7: memref<1x768xf32, #tpu.memory_space<vmem>>, %arg8: memref<2048x768xf32, #tpu.memory_space<vmem>>, %arg9: memref<512x768xf32, #tpu.memory_space<vmem>>) attributes {dimension_semantics = [#tpu.dimension_semantics<arbitrary>], iteration_bounds = array<i64: 8>, scalar_prefetch = 0 : i64, scratch_operands = 0 : i64, tpu.core_type = #tpu.core_type<tc>, window_params = [{}, {transform_indices = @transform_1, window_bounds = array<i64: 2048, 768>}, {transform_indices = @transform_2, window_bounds = array<i64: 512, 768>}, {pipeline_mode = #tpu.pipeline_mode<synchronous>, transform_indices = @transform_3, window_bounds = array<i64: 768, 3072>}, {pipeline_mode = #tpu.pipeline_mode<synchronous>, transform_indices = @transform_4, window_bounds = array<i64: 1, 3072>}, {pipeline_mode = #tpu.pipeline_mode<synchronous>, transform_indices = @transform_5, window_bounds = array<i64: 3072, 768>}, {pipeline_mode = #tpu.pipeline_mode<synchronous>, transform_indices = @transform_6, window_bounds = array<i64: 1, 768>}, {transform_indices = @transform_7, window_bounds = array<i64: 2048, 768>}, {transform_indices = @transform_8, window_bounds = array<i64: 512, 768>}]} {
    %lt3A = arith.constant 8 : i32
    %lt3A_0 = arith.cmpi slt, %arg0, %lt3A : i32
    %convert_element_type3A = arith.extui %lt3A_0 : i1 to i32
    %cond3A = arith.constant 0 : i32
    %cond3A_1 = arith.cmpi ne, %convert_element_type3A, %cond3A : i32
    scf.if %cond3A_1 {
      %get3A_42 = arith.constant 0 : index
      %get3A_43 = arith.constant 0 : index
      %get3A_44 = vector.load %arg2[%get3A_42, %get3A_43] : memref<2048x768xf32, #tpu.memory_space<vmem>>, vector<2048x768xf32>
      %swap3A_45 = arith.constant 0 : index
      %swap3A_46 = arith.constant 0 : index
      %swap3A_47 = vector.load %arg8[%swap3A_45, %swap3A_46] : memref<2048x768xf32, #tpu.memory_space<vmem>>, vector<2048x768xf32>
      tpu.vector_store %arg8[%swap3A_45, %swap3A_46], %get3A_44 {strides = array<i32>} : memref<2048x768xf32, #tpu.memory_space<vmem>>, vector<2048x768xf32>,
    } else {
    }
    %get3A = arith.constant 0 : index
    %get3A_2 = arith.constant 0 : index
    %get3A_3 = vector.load %arg3[%get3A, %get3A_2] : memref<512x768xf32, #tpu.memory_space<vmem>>, vector<512x768xf32>
    %convert_element_type3A_4 = arith.truncf %get3A_3 : vector<512x768xf32> to vector<512x768xbf16>
    %get3A_5 = arith.constant 0 : index
    %get3A_6 = arith.constant 0 : index
    %get3A_7 = vector.load %arg4[%get3A_5, %get3A_6] : memref<768x3072xf32, #tpu.memory_space<vmem>>, vector<768x3072xf32>
    %convert_element_type3A_8 = arith.truncf %get3A_7 : vector<768x3072xf32> to vector<768x3072xbf16>
    %dot_general3A = arith.constant dense<0.000000e+00> : vector<512x3072xf32>
    %dot_general3A_9 = tpu.matmul %convert_element_type3A_4, %convert_element_type3A_8, %dot_general3A {dimension_numbers = #tpu.dot_dimension_numbers<[1], [0], [0], [1], [0, 0, 1, 1], [], []>, transpose_lhs_hint = false} : vector<512x768xbf16>, vector<768x3072xbf16>, vector<512x3072xf32> -> vector<512x3072xf32>
    %get3A_10 = arith.constant 0 : index
    %get3A_11 = arith.constant 0 : index
    %get3A_12 = vector.load %arg5[%get3A_10, %get3A_11] : memref<1x3072xf32, #tpu.memory_space<vmem>>, vector<1x3072xf32>
    %add3A = vector.broadcast %get3A_12 : vector<1x3072xf32> to vector<512x3072xf32>
    %add3A_13 = arith.addf %dot_general3A_9, %add3A : vector<512x3072xf32>
    %convert_element_type3A_14 = arith.truncf %add3A_13 : vector<512x3072xf32> to vector<512x3072xbf16>
    %integer_pow3A = arith.mulf %convert_element_type3A_14, %convert_element_type3A_14 : vector<512x3072xbf16>
    %integer_pow3A_15 = arith.mulf %convert_element_type3A_14, %integer_pow3A : vector<512x3072xbf16>
    %mul3A = arith.constant 4.467770e-02 : bf16
    %mul3A_16 = vector.broadcast %mul3A : bf16 to vector<512x3072xbf16>
    %mul3A_17 = arith.mulf %mul3A_16, %integer_pow3A_15 : vector<512x3072xbf16>
    %add3A_18 = arith.addf %convert_element_type3A_14, %mul3A_17 : vector<512x3072xbf16>
    %mul3A_19 = arith.constant 7.968750e-01 : bf16
    %mul3A_20 = vector.broadcast %mul3A_19 : bf16 to vector<512x3072xbf16>
    %mul3A_21 = arith.mulf %mul3A_20, %add3A_18 : vector<512x3072xbf16>
    %tanh3A = math.tanh %mul3A_21 : vector<512x3072xbf16>
    %add3A_22 = arith.constant 1.000000e+00 : bf16
    %add3A_23 = vector.broadcast %add3A_22 : bf16 to vector<512x3072xbf16>
    %add3A_24 = arith.addf %add3A_23, %tanh3A : vector<512x3072xbf16>
    %mul3A_25 = arith.constant 5.000000e-01 : bf16
    %mul3A_26 = vector.broadcast %mul3A_25 : bf16 to vector<512x3072xbf16>
    %mul3A_27 = arith.mulf %mul3A_26, %add3A_24 : vector<512x3072xbf16>
    %mul3A_28 = arith.mulf %convert_element_type3A_14, %mul3A_27 : vector<512x3072xbf16>
    %get3A_29 = arith.constant 0 : index
    %get3A_30 = arith.constant 0 : index
    %get3A_31 = vector.load %arg6[%get3A_29, %get3A_30] : memref<3072x768xf32, #tpu.memory_space<vmem>>, vector<3072x768xf32>
    %convert_element_type3A_32 = arith.truncf %get3A_31 : vector<3072x768xf32> to vector<3072x768xbf16>
    %dot_general3A_33 = arith.constant dense<0.000000e+00> : vector<512x768xf32>
    %dot_general3A_34 = tpu.matmul %mul3A_28, %convert_element_type3A_32, %dot_general3A_33 {dimension_numbers = #tpu.dot_dimension_numbers<[1], [0], [0], [1], [0, 0, 1, 1], [], []>, transpose_lhs_hint = false} : vector<512x3072xbf16>, vector<3072x768xbf16>, vector<512x768xf32> -> vector<512x768xf32>
    %get3A_35 = arith.constant 0 : index
    %get3A_36 = arith.constant 0 : index
    %get3A_37 = vector.load %arg7[%get3A_35, %get3A_36] : memref<1x768xf32, #tpu.memory_space<vmem>>, vector<1x768xf32>
    %add3A_38 = vector.broadcast %get3A_37 : vector<1x768xf32> to vector<512x768xf32>
    %add3A_39 = arith.addf %dot_general3A_34, %add3A_38 : vector<512x768xf32>
    %swap3A = arith.constant 0 : index
    %swap3A_40 = arith.constant 0 : index
    %swap3A_41 = vector.load %arg9[%swap3A, %swap3A_40] : memref<512x768xf32, #tpu.memory_space<vmem>>, vector<512x768xf32>
    tpu.vector_store %arg9[%swap3A, %swap3A_40], %add3A_39 {strides = array<i32>} : memref<512x768xf32, #tpu.memory_space<vmem>>, vector<512x768xf32>,
    return
  }
  func.func @transform_1(%arg0: i32) -> (i32, i32) {
    %min3A = arith.constant 7 : i32
    %min3A_0 = arith.minsi %arg0, %min3A : i32
    %add3A = arith.constant 8 : i32
    %add3A_1 = arith.addi %min3A_0, %add3A : i32
    %c0_i32 = arith.constant 0 : i32
    %c0_i32_2 = arith.constant 0 : i32
    return %add3A_1, %c0_i32 : i32, i32
  }
  func.func @transform_2(%arg0: i32) -> (i32, i32) {
    %c0_i32 = arith.constant 0 : i32
    %c0_i32_0 = arith.constant 0 : i32
    return %arg0, %c0_i32 : i32, i32
  }
  func.func @transform_3(%arg0: i32) -> (i32, i32) {
    %c0_i32 = arith.constant 0 : i32
    %c0_i32_0 = arith.constant 0 : i32
    %c0_i32_1 = arith.constant 0 : i32
    return %c0_i32, %c0_i32_0 : i32, i32
  }
  func.func @transform_4(%arg0: i32) -> (i32, i32) {
    %c0_i32 = arith.constant 0 : i32
    %c0_i32_0 = arith.constant 0 : i32
    %c0_i32_1 = arith.constant 0 : i32
    return %c0_i32, %c0_i32_0 : i32, i32
  }
  func.func @transform_5(%arg0: i32) -> (i32, i32) {
    %c0_i32 = arith.constant 0 : i32
    %c0_i32_0 = arith.constant 0 : i32
    %c0_i32_1 = arith.constant 0 : i32
    return %c0_i32, %c0_i32_0 : i32, i32
  }
  func.func @transform_6(%arg0: i32) -> (i32, i32) {
    %c0_i32 = arith.constant 0 : i32
    %c0_i32_0 = arith.constant 0 : i32
    %c0_i32_1 = arith.constant 0 : i32
    return %c0_i32, %c0_i32_0 : i32, i32
  }
  func.func @transform_7(%arg0: i32) -> (i32, i32) {
    %min3A = arith.constant 7 : i32
    %min3A_0 = arith.minsi %arg0, %min3A : i32
    %add3A = arith.constant 8 : i32
    %add3A_1 = arith.addi %min3A_0, %add3A : i32
    %c0_i32 = arith.constant 0 : i32
    %c0_i32_2 = arith.constant 0 : i32
    return %add3A_1, %c0_i32 : i32, i32
  }
  func.func @transform_8(%arg0: i32) -> (i32, i32) {
    %c0_i32 = arith.constant 0 : i32
    %c0_i32_0 = arith.constant 0 : i32
    return %arg0, %c0_i32 : i32, i32
  }
}

</mosaic_0001>

<sc_bundles>
// kernel: kernel.10.cloned.1.call-start
scs
__scs_entry_jumppad:
0x0: {  	(pc) =	sbr.rel $0x88, $3  }
0x1: {  	(tag) =	ssettag $0x0;
	lr =	simm.s32 $0x1  }
0x2: {  	[smem:$0x3F9A] =	sst lr;
	_ =	strace $0xD0000000  }
0x3: {  	_ = 	snop  }
0x4: {  	_ = 	snop  }
0x5: {  	_ = 	snop  }
0x6: {  	_ = 	snop  }
0x7: {  	_ = 	snop  }
__scs_overlays_trampoline_lowered:
0x8: {  	[smem:$0x3FA9] =	sst s0  }
0x9: {  	[smem:$0x3FAA] =	sst s1  }
0xa: {  	[smem:$0x3FAB] =	sst s2  }
0xb: {  	[smem:$0x3FAC] =	sst s3  }
0xc: {  	[smem:$0x3FAD] =	sst s4  }
0xd: {  	[smem:$0x3FAE] =	sst s5  }
0xe: {  	[smem:$0x3FAF] =	sst s6  }
0xf: {  	[smem:$0x3FB0] =	sst s7  }
0x10: {  	[smem:$0x3FB1] =	sst s8  }
0x11: {  	[smem:$0x3FB2] =	sst s9;
	s0 =	simm.s32 @!p0 $0x0  }
0x12: {  	s1 =	sld [smem:$0x3F98];
	s0 =	simm.s32 @p0 $0x1  }
0x13: {  	[smem:$0x3FB3] =	sst s0;
	s0 =	simm.s32 @!p1 $0x0  }
0x14: {  	s2 =	sld [smem:$0x3F97];
	s0 =	simm.s32 @p1 $0x1  }
0x15: {  	[smem:$0x3FB4] =	sst s0;
	s0 =	simm.s32 @!p2 $0x0  }
0x16: {  	s3 =	sld [smem:$0x3FDB];
	s0 =	simm.s32 @p2 $0x1  }
0x17: {  	s4 =	simm.s32 $0x1BF5;
	[smem:$0x3FB6] =	sst s0  }
0x18: {  	s0 =	sld [smem:$0x3F99];
	_ =	swait.ge [sflag:s4], $0x0  }
0x19: {  	s7 =	sld [smem:$0x3F9A]  }
0x1a: {  	s8 =	sadd.s32 $0xFFFFE003, lr  }
0x1b: {  	s9 =	sadd.s32 $0xFFFFFEF7, lr;
	s5 =	simm.s32 $0xFFFFFFFF;
	p2 =	slt.u32 s8, $0xFFFFF086  }
0x1c: {  	p1 =	slt.u32 s9, $0xF7A;
	s5 =	simm.s32 @!p2 $0x0  }
0x1d: {  	s5 =	simm.s32 @p1 $0x1;
	p0 =	seq.s32 s7, s2  }
0x1e: {  	s7 =	smul.u32 @!p0 $0xF7A, s2;
	p2 =	seq.s32 @!p0 s5, $0x0  }
0x1f: {  	s9 =	smul.u32 $0xF7A, s1;
	s8 =	simm.s32 @!p0 $0x1BF5;
	p2 =	por !p2, p0  }
0x20: {  	[sflag:s8] =	ssyncset.s32 @!p0 $0xFFFFF086;
	s6 =	sadd.s32 @!p0 s3, s7;
	s7 =	simm.s32 @!p0 $0x108  }
0x21: {  	s3 =	sadd.s32 s3, s9;
	s6 =	sadd.s32 @!p0 $0x88, s6;
	s7 =	simm.s32 @p2 $0x1082  }
0x22: {  	[simem:s7], [sflag:s8] =	dma.local @!p0 [hbm:s6], $0xF7A  }
0x23: {  	s9 =	sor.u32 $0xD0000000, s2;
	s6 =	simm.s32 $0x108;
	_ =	swait.ge @!p0 [sflag:s8], $0x0  }
0x24: {  	s3 =	sadd.s32 $0x88, s3;
	s6 =	simm.s32 @!p1 $0x1082;
	[sflag:s4] =	ssyncset.s32 $0xFFFFF086  }
0x25: {  	[simem:s6], [sflag:s4] =	dma.local [hbm:s3], $0xF7A  }
0x26: {  	[smem:$0x3F9A] =	sst s1;
	(tag) =	ssettag s2;
	_ =	strace s9  }
0x27: {  	s1 =	sld [smem:$0x3FAA]  }
0x28: {  	s2 =	sld [smem:$0x3FAB]  }
0x29: {  	s4 =	sld [smem:$0x3FAD]  }
0x2a: {  	p0 =	seq.s32 s5, $0x0;
	s5 =	sld [smem:$0x3FAE]  }
0x2b: {  	s6 =	sld [smem:$0x3FAF]  }
0x2c: {  	s7 =	sld [smem:$0x3FB0]  }
0x2d: {  	s3 =	simm.s32 $0x108;
	s8 =	sld [smem:$0x3FB1]  }
0x2e: {  	s3 =	simm.s32 @!p0 $0x1082;
	s9 =	sld [smem:$0x3FB2]  }
0x2f: {  	lr =	sadd.s32 s0, s3;
	s0 =	sld [smem:$0x3FA9]  }
0x30: {  	s3 =	sld [smem:$0x3FAC]  }
0x31: {  	[smem:$0x3FB5] =	sst s10  }
0x32: {  	s10 =	sld [smem:$0x3FB3];
	_ =	sdelay $0x3  }
0x33: {  	p0 =	seq.s32 s10, $0x1;
	s10 =	sld [smem:$0x3FB5];
	_ =	sdelay $0x3  }
0x34: {  	[smem:$0x3FB5] =	sst s10  }
0x35: {  	s10 =	sld [smem:$0x3FB4];
	_ =	sdelay $0x3  }
0x36: {  	p1 =	seq.s32 s10, $0x1;
	s10 =	sld [smem:$0x3FB5];
	_ =	sdelay $0x3  }
0x37: {  	[smem:$0x3FB5] =	sst s10  }
0x38: {  	s10 =	sld [smem:$0x3FB6]  }
0x39: {  	_ = 	snop;
	(pc) =	sbr.ind lr, $3  }
0x3a: {  	_ = 	snop  }
0x3b: {  	_ = 	snop  }
0x3c: {  	p2 =	seq.s32 s10, $0x1;
	s10 =	sld [smem:$0x3FB5]  }
0x3d: {  	_ =	shalt  }
0x3e: {  	_ =	shalt  }
0x3f: {  	_ =	shalt  }
0x40: {  	_ =	shalt  }
0x41: {  	_ =	shalt  }
0x42: {  	_ =	shalt  }
0x43: {  	_ =	shalt  }
0x44: {  	_ =	shalt  }
0x45: {  	_ =	shalt  }
0x46: {  	_ =	shalt  }
0x47: {  	_ =	shalt  }
0x48: {  	_ =	shalt  }
0x49: {  	_ =	shalt  }
0x4a: {  	_ =	shalt  }
0x4b: {  	_ =	shalt  }
0x4c: {  	_ =	shalt  }
0x4d: {  	_ =	shalt  }
0x4e: {  	_ =	shalt  }
0x4f: {  	_ =	shalt  }
0x50: {  	_ =	shalt  }
0x51: {  	_ =	shalt  }
0x52: {  	_ =	shalt  }
0x53: {  	_ =	shalt  }
0x54: {  	_ =	shalt  }
0x55: {  	_ =	shalt  }
0x56: {  	_ =	shalt  }
0x57: {  	_ =	shalt  }
0x58: {  	_ =	shalt  }
0x59: {  	_ =	shalt  }
0x5a: {  	_ =	shalt  }
0x5b: {  	_ =	shalt  }
0x5c: {  	_ =	shalt  }
0x5d: {  	_ =	shalt  }
0x5e: {  	_ =	shalt  }
0x5f: {  	_ =	shalt  }
0x60: {  	_ =	shalt  }
0x61: {  	_ =	shalt  }
0x62: {  	_ =	shalt  }
0x63: {  	_ =	shalt  }
0x64: {  	_ =	shalt  }
0x65: {  	_ =	shalt  }
0x66: {  	_ =	shalt  }
0x67: {  	_ =	shalt  }
0x68: {  	_ =	shalt  }
0x69: {  	_ =	shalt  }
0x6a: {  	_ =	shalt  }
0x6b: {  	_ =	shalt  }
0x6c: {  	_ =	shalt  }
0x6d: {  	_ =	shalt  }
0x6e: {  	_ =	shalt  }
0x6f: {  	_ =	shalt  }
0x70: {  	_ =	shalt  }
0x71: {  	_ =	shalt  }
0x72: {  	_ =	shalt  }
0x73: {  	_ =	shalt  }
0x74: {  	_ =	shalt  }
0x75: {  	_ =	shalt  }
0x76: {  	_ =	shalt  }
0x77: {  	_ =	shalt  }
0x78: {  	_ =	shalt  }
0x79: {  	_ =	shalt  }
0x7a: {  	_ =	shalt  }
0x7b: {  	_ =	shalt  }
0x7c: {  	_ =	shalt  }
0x7d: {  	_ =	shalt  }
0x7e: {  	_ =	shalt  }
0x7f: {  	_ =	shalt  }
0x80: {  	_ =	shalt  }
0x81: {  	_ =	shalt  }
0x82: {  	_ =	shalt  }
0x83: {  	_ =	shalt  }
0x84: {  	_ =	shalt  }
0x85: {  	_ =	shalt  }
0x86: {  	_ =	shalt  }
0x87: {  	_ =	shalt  }
.Lfunc_end0:
.L_simem_size_0:
called_computation.1_lowered:
.L_overlay_start_0:
0x88: {  	s2 =	sld [smem:$0x3FD9]  }
0x89: {  	s3 =	sld [smem:$0x3FFE];
	_ =	sdelay $0x1  }
0x8a: {  	s1 =	srdreg.scid  }
0x8b: {  	s0 =	sand.u32 $0x1, s1  }
0x8c: {  	s17 =	sshll.u32 s0, $0xA;
	s2 =	sadd.s32 s3, s2  }
0x8d: {  	s2 =	sadd.s32 s2, s17  }
0x8e: {  	[smem:$0x3FC1] =	sst s2  }
0x8f: {  	_ = 	snop  }
0x90: {  	s2 =	sld [smem:$0x3FD0];
	(tm) =	ssettm $0x1  }
0x91: {  	s18 =	sld [smem:$0x3FFB];
	_ =	sdelay $0x3  }
0x92: {  	_ =	strace s18  }
0x93: {  	s3 =	sld [smem:$0x3FFC];
	_ =	sdelay $0x3  }
0x94: {  	_ =	strace s3  }
0x95: {  	s3 =	sld [smem:$0x3FFD];
	_ =	sdelay $0x3  }
0x96: {  	_ =	strace s3  }
0x97: {  	_ =	strace $0x8FFFFFFF  }
0x98: {  	s19 =	sld [smem:$0x3FDB];
	_ =	sdelay $0x1  }
0x99: {  	s4 =	simm.s32 $_scs_section_size  }
0x9a: {  	s5 =	simm.s32 $_size__tile_overlayer_lowered;
	s6 =	simm.s32 $_tile_overlayer_lowered  }
0x9b: {  	s22 =	simm.s32 $0x1BFF;
	s21 =	sshll.u32 s6, $0x1;
	s3 =	sadd.s32 s4, s19  }
0x9c: {  	s7 =	simm.s32 $0x0;
	s20 =	sshll.u32 s5, $0x1;
	s5 =	sadd.s32 s21, s3  }
0x9d: {  	[timem:s7], [sflag:s22] =	dma.local [hbm:s5], s20  }
0x9e: {  	_ =	swait.ge [sflag:s22], s20  }
0x9f: {  	s4 =	ssub.s32 $0x0, s20;
	[sflag:s22] =	ssyncset.done $0x0  }
0xa0: {  	[sflag:s22] =	ssyncadd.s32 s4;
	_ =	sdelay $0x1  }
0xa1: {  	s23 =	simm.s32 $0x1B8B  }
0xa2: {  	_ =	swait.ge [sflag:s23], $0x1  }
0xa3: {  	[sflag:s23] =	ssyncset.done $0x0  }
0xa4: {  	s25 =	simm.s32 $0x1B8E;
	s24 =	sld [smem:$0x3FFE];
	[sflag:s23] =	ssyncadd.s32 $0xFFFFFFFF  }
0xa5: {  	s26 =	simm.s32 $execute0_lowered;
	[smem:$0x3FD2] =	sst s25  }
0xa6: {  	s5 =	sshll.u32 s26, $0x1;
	_ =	strace $0x80000049;
	[dreg:$0x1] =	wrdreg $0xFFFFFFFF  }
0xa7: {  	s28 =	simm.s32 $_size_execute0_lowered;
	s3 =	sadd.s32 s3, s5;
	[dreg:$0x0] =	wrdreg $0x0  }
0xa8: {  	s5 =	sshll.u32 s28, $0x1;
	[dreg:$0x2] =	wrdreg s3  }
0xa9: {  	[dreg:$0x3] =	wrdreg s5  }
0xaa: {  	[dreg:$0x4] =	wrdreg $0xC0  }
0xab: {  	_ =	task [dreg:s7], $0x5FFFF  }
0xac: {  	[dreg:$0x1] =	wrdreg $0xFFFFFFFF  }
0xad: {  	[dreg:$0x0] =	wrdreg $0x60  }
0xae: {  	[dreg:$0x2] =	wrdreg s24  }
0xaf: {  	[dreg:$0x3] =	wrdreg s2  }
0xb0: {  	[dreg:$0x4] =	wrdreg $0x9  }
0xb1: {  	_ =	task.clear_ibuf [dreg:s7], $0x5FFFF;
	_ =	strace $0x90000049  }
0xb2: {  	s29 =	simm.s32 $0x9;
	_ =	strace $0x8000004B  }
0xb3: {  	_ =	swait.ge [sflag:s29], $0x1  }
0xb4: {  	[sflag:s29] =	ssyncadd.s32 $0xFFFFFFFF  }
0xb5: {  	_ =	strace $0x9000004B  }
0xb6: {  	_ =	sfence  }
0xb7: {  	s30 =	sld [smem:$0x0];
	_ =	sdelay $0x2  }
0xb8: {  	s31 =	sshll.u32 s1, $0xD;
	s1 =	sshrl.u32 s1, $0x2  }
0xb9: {  	s3 =	sand.u32 $0x4000, s31;
	s1 =	sadd.s32 s1, s30  }
0xba: {  	s0 =	sor.u32 s3, s0;
	s1 =	sshll.u32 s1, $0x11  }
0xbb: {  	s0 =	sor.u32 s1, s0  }
0xbc: {  	s0 =	sadd.s32 $0x8F2B, s0  }
0xbd: {  	[sflag:s0] =	ssyncadd.remote.s32 $0x1  }
0xbe: {  	_ =	sfence.sel $0xFFFF  }
0xbf: {  	[dreg:$0x0] =	wrdreg $0xFFFFFFFF;
	(pc) =	sbr.abs _section_cstart, $3  }
0xc0: {  	[dreg:$0x1] =	wrdreg $0xFFFFFFFF  }
0xc1: {  	_ =	task.clear_ibuf [dreg:s7], $0x2FFFF;
	_ =	strace $0x9FFFFFFF  }
0xc2: {  	(tm) =	ssettm $0x7FFFFFFF  }
0xc3: {  	_ =	shalt  }
tec
execute0_lowered:
.L_overlay_start_1:
0x0: {  	(tag) =	ssettag $0x1  }
0x1: {  	s1 =	srdreg.scid  }
0x2: {  	s0 =	stileid.u32;
	s1 =	sand.u32 $0x1, s1  }
0x3: {  	s4 =	rddreg [dreg:$0x0];
	s3 =	sshll.u32 s0, $0x5;
	s5 =	sshll.u32 s1, $0x4  }
0x4: {  	s2 =	rddreg [dreg:$0x1];
	s5 =	sor.u32 s5, s3;
	s3 =	simm.s32 $0x0  }
0x5: {  	s25 =	simm.s32 $0x880;
	[smem:$0x7FF] =	sst s3  }
0x6: {  	s26 =	simm.s32 $0x1080;
	_ =	strace $0x8000004A;
	[dreg:$0x5] =	wrdreg s25  }
0x7: {  	s0 =	simm.s32 $0x1880;
	[dreg:$0x6] =	wrdreg s26  }
0x8: {  	s7 =	simm.s32 $0x3080;
	[dreg:$0x7] =	wrdreg s0  }
0x9: {  	s8 =	simm.s32 $0x3880;
	[dreg:$0xa] =	wrdreg s7  }
0xa: {  	s9 =	simm.s32 $0x4080;
	[dreg:$0xb] =	wrdreg s8  }
0xb: {  	s10 =	simm.s32 $0x4880;
	[dreg:$0xc] =	wrdreg s9  }
0xc: {  	s11 =	simm.s32 $0x5080;
	[dreg:$0xd] =	wrdreg s10  }
0xd: {  	s12 =	simm.s32 $0x5880;
	s13 =	simm.s32 $0x6080;
	[dreg:$0xe] =	wrdreg s11  }
0xe: {  	s14 =	simm.s32 $0x6880;
	s15 =	simm.s32 $0x7080;
	[dreg:$0xf] =	wrdreg s12  }
0xf: {  	s16 =	simm.s32 $0x7880;
	s17 =	simm.s32 $0x8080;
	[dreg:$0x10] =	wrdreg s13  }
0x10: {  	s18 =	simm.s32 $0x8880;
	s19 =	simm.s32 $0x9080;
	[dreg:$0x11] =	wrdreg s14  }
0x11: {  	s21 =	simm.s32 $0x9880;
	s22 =	simm.s32 $0xA080;
	[dreg:$0x12] =	wrdreg s15  }
0x12: {  	s23 =	simm.s32 $0xA880;
	s24 =	simm.s32 $0xB880;
	[dreg:$0x13] =	wrdreg s16  }
0x13: {  	s28 =	simm.s32 $0x16080;
	s29 =	simm.s32 $0x16880;
	[dreg:$0x14] =	wrdreg s17  }
0x14: {  	s30 =	simm.s32 $0x17080;
	s1 =	ssub.s32 $0x2, s1;
	[dreg:$0x15] =	wrdreg s18  }
0x15: {  	s31 =	simm.s32 $0x17880;
	s20 =	sshrl.u32 s1, $0x1;
	[dreg:$0x16] =	wrdreg s19  }
0x16: {  	s6 =	smul.u32 $0x300, s5;
	s5 =	sadd.s32 s5, s4;
	[dreg:$0x17] =	wrdreg s21  }
0x17: {  	s1 =	ssub.s32 s1, s20;
	s20 =	simm.s32 $0x12880;
	[dreg:$0x18] =	wrdreg s22  }
0x18: {  	s5 =	sadd.s32 $0x61600, s5;
	[dreg:$0x19] =	wrdreg s23;
	s7 =	simm.s32 $0xB080  }
0x19: {  	[dreg:$0x1b] =	wrdreg s24;
	s25 =	simm.s32 $0xC080;
	s8 =	simm.s32 $0x80  }
0x1a: {  	s26 =	simm.s32 $0xC880;
	s10 =	simm.s32 $0xD880;
	s11 =	simm.s32 $0xE080  }
0x1b: {  	s12 =	simm.s32 $0xE880;
	s13 =	simm.s32 $0xF080;
	s14 =	simm.s32 $0xF880  }
0x1c: {  	s15 =	simm.s32 $0x10080;
	s16 =	simm.s32 $0x10880;
	s17 =	simm.s32 $0x11080  }
0x1d: {  	s18 =	simm.s32 $0x11880;
	s19 =	simm.s32 $0x12080;
	s21 =	simm.s32 $0x13080  }
0x1e: {  	s22 =	simm.s32 $0x13880;
	s23 =	simm.s32 $0x14080;
	[dreg:$0x3] =	wrdreg s5  }
0x1f: {  	s24 =	simm.s32 $0x14880;
	s4 =	sadd.s32 s6, s4;
	[dreg:$0x1a] =	wrdreg s7  }
0x20: {  	s5 =	simm.s32 $0x2080;
	s6 =	simm.s32 $0x2880;
	[dreg:$0x1c] =	wrdreg s25  }
0x21: {  	s7 =	simm.s32 $0x2;
	[dreg:$0x1d] =	wrdreg s26;
	s25 =	simm.s32 $0x15080  }
0x22: {  	v2 =	vlaneseq.u32;
	s26 =	simm.s32 $0x15880;
	s4 =	sadd.s32 $0x61A00, s4;
	[dreg:$0x8] =	wrdreg s5  }
0x23: {  	vm0 =	vmmov $0xffff;
	v1 =	vshrl.u32 v2, $0x3;
	[dreg:$0x9] =	wrdreg s6;
	s5 =	sadd.s32 $0x200, s2;
	s6 =	smax.u32 s1, $0x1  }
0x24: {  	v0 =	vand.u32 $0x7, v2;
	v2 =	vor.u32 $0x8, v2;
	v1 =	vmul.u32 $0x8, v1;
	s1 =	simm.s32 $0x1;
	[dreg:$0x4] =	wrdreg s4;
	s4 =	sadd.s32 $0x100, s2  }
.LBB2_1:
0x25: {  	s0 =	rddreg [dreg:$0x3]  }
0x26: {  	[tilespmem:s3], [sflag:$0x2] =	stream.linear.gather [hbm4b:s0+s3], $0x80, $0x38;
	[tilespmem:$0x18080] =	vst v63  }
0x27: {  	_ =	swait.ge [sflag:s7], $0x80  }
0x28: {  	[sflag:s7] =	ssyncset.done $0x0  }
0x29: {  	s9 =	rddreg [dreg:$0x4];
	[sflag:s7] =	ssyncadd.s32 $0xFFFFFF80  }
0x2a: {  	[tilespmem:s8], [sflag:$0x2] =	stream.linear.gather [hbm4b:s9+s3], $0x18000, $0x38;
	[tilespmem:$0x18080] =	vst v63  }
0x2b: {  	_ =	swait.ge [sflag:s7], $0x18000  }
0x2c: {  	[sflag:s7] =	ssyncset.done $0x0  }
0x2d: {  	[sflag:s7] =	ssyncadd.s32 $0xFFFE8000  }
0x2e: {  	v3 =	vld [tilespmem:$0x0];
	_ =	sdelay $0x4  }
0x2f: {  	v4 =	vshrl.u32 v3, $0x3  }
0x30: {  	v4 =	vmul.u32 $0x30, v4  }
0x31: {  	v3 =	vand.u32 $0x7, v3  }
0x32: {  	v3 =	vor.u32 v3, v4  }
0x33: {  	v4 =	vperm.xlane v3, v0;
	_ =	sdelay $0x1  }
0x34: {  	v4 =	vadd.s32 v1, v4;
	_ =	sdelay $0x3  }
0x35: {  	v3 =	vperm.xlane v3, v2  }
0x36: {  	[hbm4b:s2+s3] =	stream.indirect_vreg.scatter [tilespmem:s8], [sflag:$0x1], $0x80, v4, vm0, $0xb8;
	[tilespmem:$0x18080] =	vst v63  }
0x37: {  	s0 =	rddreg [dreg:$0x5];
	v3 =	vadd.s32 v1, v3  }
0x38: {  	[hbm4b:s4+s3] =	stream.indirect_vreg.scatter [tilespmem:s0], [sflag:$0x1], $0x80, v4, vm0, $0xb8;
	[tilespmem:$0x18080] =	vst v63  }
0x39: {  	s9 =	rddreg [dreg:$0x6]  }
0x3a: {  	[hbm4b:s5+s3] =	stream.indirect_vreg.scatter [tilespmem:s9], [sflag:$0x1], $0x80, v4, vm0, $0xb8;
	[tilespmem:$0x18080] =	vst v63  }
0x3b: {  	s0 =	rddreg [dreg:$0x7]  }
0x3c: {  	[hbm4b:s2+s3] =	stream.indirect_vreg.scatter [tilespmem:s0], [sflag:$0x1], $0x80, v3, vm0, $0xb8;
	[tilespmem:$0x18080] =	vst v63  }
0x3d: {  	s9 =	rddreg [dreg:$0x8]  }
0x3e: {  	[hbm4b:s4+s3] =	stream.indirect_vreg.scatter [tilespmem:s9], [sflag:$0x1], $0x80, v3, vm0, $0xb8;
	[tilespmem:$0x18080] =	vst v63  }
0x3f: {  	s0 =	rddreg [dreg:$0x9]  }
0x40: {  	[hbm4b:s5+s3] =	stream.indirect_vreg.scatter [tilespmem:s0], [sflag:$0x1], $0x80, v3, vm0, $0xb8;
	[tilespmem:$0x18080] =	vst v63  }
0x41: {  	v3 =	vld [tilespmem:$0x10];
	_ =	sdelay $0x4  }
0x42: {  	v57 =	vshrl.u32 v3, $0x3  }
0x43: {  	v4 =	vmul.u32 $0x30, v57  }
0x44: {  	v3 =	vand.u32 $0x7, v3  }
0x45: {  	v3 =	vor.u32 v3, v4  }
0x46: {  	v4 =	vperm.xlane v3, v0;
	_ =	sdelay $0x1  }
0x47: {  	v4 =	vadd.s32 v1, v4;
	_ =	sdelay $0x3  }
0x48: {  	s0 =	rddreg [dreg:$0xa];
	v3 =	vperm.xlane v3, v2  }
0x49: {  	[hbm4b:s2+s3] =	stream.indirect_vreg.scatter [tilespmem:s0], [sflag:$0x1], $0x80, v4, vm0, $0xb8;
	[tilespmem:$0x18080] =	vst v63  }
0x4a: {  	s9 =	rddreg [dreg:$0xb];
	v3 =	vadd.s32 v1, v3  }
0x4b: {  	[hbm4b:s4+s3] =	stream.indirect_vreg.scatter [tilespmem:s9], [sflag:$0x1], $0x80, v4, vm0, $0xb8;
	[tilespmem:$0x18080] =	vst v63  }
0x4c: {  	s0 =	rddreg [dreg:$0xc]  }
0x4d: {  	[hbm4b:s5+s3] =	stream.indirect_vreg.scatter [tilespmem:s0], [sflag:$0x1], $0x80, v4, vm0, $0xb8;
	[tilespmem:$0x18080] =	vst v63  }
0x4e: {  	s9 =	rddreg [dreg:$0xd]  }
0x4f: {  	[hbm4b:s2+s3] =	stream.indirect_vreg.scatter [tilespmem:s9], [sflag:$0x1], $0x80, v3, vm0, $0xb8;
	[tilespmem:$0x18080] =	vst v63  }
0x50: {  	s0 =	rddreg [dreg:$0xe]  }
0x51: {  	[hbm4b:s4+s3] =	stream.indirect_vreg.scatter [tilespmem:s0], [sflag:$0x1], $0x80, v3, vm0, $0xb8;
	[tilespmem:$0x18080] =	vst v63  }
0x52: {  	s9 =	rddreg [dreg:$0xf]  }
0x53: {  	[hbm4b:s5+s3] =	stream.indirect_vreg.scatter [tilespmem:s9], [sflag:$0x1], $0x80, v3, vm0, $0xb8;
	[tilespmem:$0x18080] =	vst v63  }
0x54: {  	v3 =	vld [tilespmem:$0x20];
	_ =	sdelay $0x4  }
0x55: {  	v58 =	vshrl.u32 v3, $0x3  }
0x56: {  	v4 =	vmul.u32 $0x30, v58  }
0x57: {  	v3 =	vand.u32 $0x7, v3  }
0x58: {  	v3 =	vor.u32 v3, v4  }
0x59: {  	v4 =	vperm.xlane v3, v0;
	_ =	sdelay $0x1  }
0x5a: {  	v4 =	vadd.s32 v1, v4;
	_ =	sdelay $0x3  }
0x5b: {  	s0 =	rddreg [dreg:$0x10];
	v3 =	vperm.xlane v3, v2  }
0x5c: {  	[hbm4b:s2+s3] =	stream.indirect_vreg.scatter [tilespmem:s0], [sflag:$0x1], $0x80, v4, vm0, $0xb8;
	[tilespmem:$0x18080] =	vst v63  }
0x5d: {  	s9 =	rddreg [dreg:$0x11];
	v3 =	vadd.s32 v1, v3  }
0x5e: {  	[hbm4b:s4+s3] =	stream.indirect_vreg.scatter [tilespmem:s9], [sflag:$0x1], $0x80, v4, vm0, $0xb8;
	[tilespmem:$0x18080] =	vst v63  }
0x5f: {  	s0 =	rddreg [dreg:$0x12]  }
0x60: {  	[hbm4b:s5+s3] =	stream.indirect_vreg.scatter [tilespmem:s0], [sflag:$0x1], $0x80, v4, vm0, $0xb8;
	[tilespmem:$0x18080] =	vst v63  }
0x61: {  	s9 =	rddreg [dreg:$0x13]  }
0x62: {  	[hbm4b:s2+s3] =	stream.indirect_vreg.scatter [tilespmem:s9], [sflag:$0x1], $0x80, v3, vm0, $0xb8;
	[tilespmem:$0x18080] =	vst v63  }
0x63: {  	s0 =	rddreg [dreg:$0x14]  }
0x64: {  	[hbm4b:s4+s3] =	stream.indirect_vreg.scatter [tilespmem:s0], [sflag:$0x1], $0x80, v3, vm0, $0xb8;
	[tilespmem:$0x18080] =	vst v63  }
0x65: {  	s9 =	rddreg [dreg:$0x15]  }
0x66: {  	[hbm4b:s5+s3] =	stream.indirect_vreg.scatter [tilespmem:s9], [sflag:$0x1], $0x80, v3, vm0, $0xb8;
	[tilespmem:$0x18080] =	vst v63  }
0x67: {  	v3 =	vld [tilespmem:$0x30];
	_ =	sdelay $0x4  }
0x68: {  	v59 =	vshrl.u32 v3, $0x3  }
0x69: {  	v4 =	vmul.u32 $0x30, v59  }
0x6a: {  	v3 =	vand.u32 $0x7, v3  }
0x6b: {  	v3 =	vor.u32 v3, v4  }
0x6c: {  	v4 =	vperm.xlane v3, v0;
	_ =	sdelay $0x1  }
0x6d: {  	v4 =	vadd.s32 v1, v4;
	_ =	sdelay $0x3  }
0x6e: {  	s0 =	rddreg [dreg:$0x16];
	v3 =	vperm.xlane v3, v2  }
0x6f: {  	[hbm4b:s2+s3] =	stream.indirect_vreg.scatter [tilespmem:s0], [sflag:$0x1], $0x80, v4, vm0, $0xb8;
	[tilespmem:$0x18080] =	vst v63  }
0x70: {  	s9 =	rddreg [dreg:$0x17];
	v3 =	vadd.s32 v1, v3  }
0x71: {  	[hbm4b:s4+s3] =	stream.indirect_vreg.scatter [tilespmem:s9], [sflag:$0x1], $0x80, v4, vm0, $0xb8;
	[tilespmem:$0x18080] =	vst v63  }
0x72: {  	s0 =	rddreg [dreg:$0x18]  }
0x73: {  	[hbm4b:s5+s3] =	stream.indirect_vreg.scatter [tilespmem:s0], [sflag:$0x1], $0x80, v4, vm0, $0xb8;
	[tilespmem:$0x18080] =	vst v63  }
0x74: {  	s9 =	rddreg [dreg:$0x19]  }
0x75: {  	[hbm4b:s2+s3] =	stream.indirect_vreg.scatter [tilespmem:s9], [sflag:$0x1], $0x80, v3, vm0, $0xb8;
	[tilespmem:$0x18080] =	vst v63  }
0x76: {  	s0 =	rddreg [dreg:$0x1a]  }
0x77: {  	[hbm4b:s4+s3] =	stream.indirect_vreg.scatter [tilespmem:s0], [sflag:$0x1], $0x80, v3, vm0, $0xb8;
	[tilespmem:$0x18080] =	vst v63  }
0x78: {  	s9 =	rddreg [dreg:$0x1b]  }
0x79: {  	[hbm4b:s5+s3] =	stream.indirect_vreg.scatter [tilespmem:s9], [sflag:$0x1], $0x80, v3, vm0, $0xb8;
	[tilespmem:$0x18080] =	vst v63  }
0x7a: {  	v3 =	vld [tilespmem:$0x40];
	_ =	sdelay $0x4  }
0x7b: {  	v60 =	vshrl.u32 v3, $0x3  }
0x7c: {  	v4 =	vmul.u32 $0x30, v60  }
0x7d: {  	v3 =	vand.u32 $0x7, v3  }
0x7e: {  	v3 =	vor.u32 v3, v4  }
0x7f: {  	v4 =	vperm.xlane v3, v0;
	_ =	sdelay $0x1  }
0x80: {  	v4 =	vadd.s32 v1, v4;
	_ =	sdelay $0x3  }
0x81: {  	s0 =	rddreg [dreg:$0x1c];
	v3 =	vperm.xlane v3, v2  }
0x82: {  	[hbm4b:s2+s3] =	stream.indirect_vreg.scatter [tilespmem:s0], [sflag:$0x1], $0x80, v4, vm0, $0xb8;
	[tilespmem:$0x18080] =	vst v63  }
0x83: {  	s9 =	rddreg [dreg:$0x1d];
	v3 =	vadd.s32 v1, v3  }
0x84: {  	[hbm4b:s4+s3] =	stream.indirect_vreg.scatter [tilespmem:s9], [sflag:$0x1], $0x80, v4, vm0, $0xb8;
	[tilespmem:$0x18080] =	vst v63  }
0x85: {  	s9 =	simm.s32 $0xD080  }
0x86: {  	[hbm4b:s5+s3] =	stream.indirect_vreg.scatter [tilespmem:s9], [sflag:$0x1], $0x80, v4, vm0, $0xb8;
	[tilespmem:$0x18080] =	vst v63  }
0x87: {  	_ = 	snop  }
0x88: {  	[hbm4b:s2+s3] =	stream.indirect_vreg.scatter [tilespmem:s10], [sflag:$0x1], $0x80, v3, vm0, $0xb8;
	[tilespmem:$0x18080] =	vst v63  }
0x89: {  	_ = 	snop  }
0x8a: {  	[hbm4b:s4+s3] =	stream.indirect_vreg.scatter [tilespmem:s11], [sflag:$0x1], $0x80, v3, vm0, $0xb8;
	[tilespmem:$0x18080] =	vst v63  }
0x8b: {  	_ = 	snop  }
0x8c: {  	[hbm4b:s5+s3] =	stream.indirect_vreg.scatter [tilespmem:s12], [sflag:$0x1], $0x80, v3, vm0, $0xb8;
	[tilespmem:$0x18080] =	vst v63  }
0x8d: {  	v3 =	vld [tilespmem:$0x50];
	_ =	sdelay $0x4  }
0x8e: {  	v61 =	vshrl.u32 v3, $0x3  }
0x8f: {  	v4 =	vmul.u32 $0x30, v61  }
0x90: {  	v3 =	vand.u32 $0x7, v3  }
0x91: {  	v3 =	vor.u32 v3, v4  }
0x92: {  	v4 =	vperm.xlane v3, v0;
	_ =	sdelay $0x1  }
0x93: {  	v4 =	vadd.s32 v1, v4;
	_ =	sdelay $0x3  }
0x94: {  	v3 =	vperm.xlane v3, v2  }
0x95: {  	[hbm4b:s2+s3] =	stream.indirect_vreg.scatter [tilespmem:s13], [sflag:$0x1], $0x80, v4, vm0, $0xb8;
	[tilespmem:$0x18080] =	vst v63  }
0x96: {  	v3 =	vadd.s32 v1, v3  }
0x97: {  	[hbm4b:s4+s3] =	stream.indirect_vreg.scatter [tilespmem:s14], [sflag:$0x1], $0x80, v4, vm0, $0xb8;
	[tilespmem:$0x18080] =	vst v63  }
0x98: {  	_ = 	snop  }
0x99: {  	[hbm4b:s5+s3] =	stream.indirect_vreg.scatter [tilespmem:s15], [sflag:$0x1], $0x80, v4, vm0, $0xb8;
	[tilespmem:$0x18080] =	vst v63  }
0x9a: {  	_ = 	snop  }
0x9b: {  	[hbm4b:s2+s3] =	stream.indirect_vreg.scatter [tilespmem:s16], [sflag:$0x1], $0x80, v3, vm0, $0xb8;
	[tilespmem:$0x18080] =	vst v63  }
0x9c: {  	_ = 	snop  }
0x9d: {  	[hbm4b:s4+s3] =	stream.indirect_vreg.scatter [tilespmem:s17], [sflag:$0x1], $0x80, v3, vm0, $0xb8;
	[tilespmem:$0x18080] =	vst v63  }
0x9e: {  	_ = 	snop  }
0x9f: {  	[hbm4b:s5+s3] =	stream.indirect_vreg.scatter [tilespmem:s18], [sflag:$0x1], $0x80, v3, vm0, $0xb8;
	[tilespmem:$0x18080] =	vst v63  }
0xa0: {  	v3 =	vld [tilespmem:$0x60];
	_ =	sdelay $0x4  }
0xa1: {  	v62 =	vshrl.u32 v3, $0x3  }
0xa2: {  	v4 =	vmul.u32 $0x30, v62  }
0xa3: {  	v3 =	vand.u32 $0x7, v3  }
0xa4: {  	v3 =	vor.u32 v3, v4  }
0xa5: {  	v4 =	vperm.xlane v3, v0;
	_ =	sdelay $0x1  }
0xa6: {  	v4 =	vadd.s32 v1, v4;
	_ =	sdelay $0x3  }
0xa7: {  	v3 =	vperm.xlane v3, v2  }
0xa8: {  	[hbm4b:s2+s3] =	stream.indirect_vreg.scatter [tilespmem:s19], [sflag:$0x1], $0x80, v4, vm0, $0xb8;
	[tilespmem:$0x18080] =	vst v63  }
0xa9: {  	v3 =	vadd.s32 v1, v3  }
0xaa: {  	[hbm4b:s4+s3] =	stream.indirect_vreg.scatter [tilespmem:s20], [sflag:$0x1], $0x80, v4, vm0, $0xb8;
	[tilespmem:$0x18080] =	vst v63  }
0xab: {  	_ = 	snop  }
0xac: {  	[hbm4b:s5+s3] =	stream.indirect_vreg.scatter [tilespmem:s21], [sflag:$0x1], $0x80, v4, vm0, $0xb8;
	[tilespmem:$0x18080] =	vst v63  }
0xad: {  	_ = 	snop  }
0xae: {  	[hbm4b:s2+s3] =	stream.indirect_vreg.scatter [tilespmem:s22], [sflag:$0x1], $0x80, v3, vm0, $0xb8;
	[tilespmem:$0x18080] =	vst v63  }
0xaf: {  	_ = 	snop  }
0xb0: {  	[hbm4b:s4+s3] =	stream.indirect_vreg.scatter [tilespmem:s23], [sflag:$0x1], $0x80, v3, vm0, $0xb8;
	[tilespmem:$0x18080] =	vst v63  }
0xb1: {  	_ = 	snop  }
0xb2: {  	[hbm4b:s5+s3] =	stream.indirect_vreg.scatter [tilespmem:s24], [sflag:$0x1], $0x80, v3, vm0, $0xb8;
	[tilespmem:$0x18080] =	vst v63  }
0xb3: {  	v3 =	vld [tilespmem:$0x70];
	_ =	sdelay $0x4  }
0xb4: {  	v63 =	vshrl.u32 v3, $0x3  }
0xb5: {  	v4 =	vmul.u32 $0x30, v63  }
0xb6: {  	v3 =	vand.u32 $0x7, v3  }
0xb7: {  	v3 =	vor.u32 v3, v4  }
0xb8: {  	v4 =	vperm.xlane v3, v0;
	_ =	sdelay $0x1  }
0xb9: {  	v4 =	vadd.s32 v1, v4;
	_ =	sdelay $0x3  }
0xba: {  	v3 =	vperm.xlane v3, v2  }
0xbb: {  	[hbm4b:s2+s3] =	stream.indirect_vreg.scatter [tilespmem:s25], [sflag:$0x1], $0x80, v4, vm0, $0xb8;
	[tilespmem:$0x18080] =	vst v63  }
0xbc: {  	v3 =	vadd.s32 v1, v3  }
0xbd: {  	[hbm4b:s4+s3] =	stream.indirect_vreg.scatter [tilespmem:s26], [sflag:$0x1], $0x80, v4, vm0, $0xb8;
	[tilespmem:$0x18080] =	vst v63  }
0xbe: {  	_ = 	snop  }
0xbf: {  	[hbm4b:s5+s3] =	stream.indirect_vreg.scatter [tilespmem:s28], [sflag:$0x1], $0x80, v4, vm0, $0xb8;
	[tilespmem:$0x18080] =	vst v63  }
0xc0: {  	_ = 	snop  }
0xc1: {  	[hbm4b:s2+s3] =	stream.indirect_vreg.scatter [tilespmem:s29], [sflag:$0x1], $0x80, v3, vm0, $0xb8;
	[tilespmem:$0x18080] =	vst v63  }
0xc2: {  	p0 =	sne.s32 s6, $0x1  }
0xc3: {  	[hbm4b:s4+s3] =	stream.indirect_vreg.scatter [tilespmem:s30], [sflag:$0x1], $0x80, v3, vm0, $0xb8;
	[tilespmem:$0x18080] =	vst v63  }
.Ltmp0:
0xc4: {  	_ = 	snop;
	(pc) =	sbr.rel @p0 .LBB2_1-.Ltmp0, $4  }
0xc5: {  	[hbm4b:s5+s3] =	stream.indirect_vreg.scatter [tilespmem:s31], [sflag:$0x1], $0x80, v3, vm0, $0xb8;
	[tilespmem:$0x18080] =	vst v63  }
0xc6: {  	_ =	swait.ge [sflag:s1], $0x18000  }
0xc7: {  	[sflag:s1] =	ssyncset.done $0x0  }
0xc8: {  	s6 =	sadd.s32 $0xFFFFFFFF, s6;
	[sflag:s1] =	ssyncadd.s32 $0xFFFE8000  }
0xc9: {  	_ =	sfence.sel $0x180000  }
0xca: {  	[bflag:$0x0] =	sbarrier.arrive $0xFFFF  }
0xcb: {  	_ =	strace $0x9000004A  }
0xcc: {  	s0 =	stileid.u32;
	[bflag:$0x2] =	sbarrier.arrive $0xFFFF  }
0xcd: {  	p0 =	sne.s32 s0, $0x0;
	s0 =	rddreg [dreg:$0x2]  }
0xce: {  	s0 =	sadd.s32 @!p0 $0x100000, s0  }
0xcf: {  	[sflag:s0] =	ssyncadd.tile.s32 @!p0 $0x1;
	_ =	shalt  }
.Lfunc_end2:
_tile_overlayer_lowered:
.L_overlay_start_2:
0xd0: {  	(tag) =	ssettag $0x2  }
0xd1: {  	s0 =	rddreg [dreg:$0x0];
	s2 =	stileid.u32  }
0xd2: {  	s1 =	rddreg [dreg:$0x1];
	p0 =	sne.s32 s2, $0x0  }
0xd3: {  	s3 =	rddreg [dreg:$0x2];
	[bflag:$0x3] =	sbarrier.arrive $0xFFFF;
	s2 =	simm.s32 @!p0 $0x1C02  }
0xd4: {  	[timem:s3], [sflag:s2] =	dma.local @!p0 [hbm:s0], s1  }
0xd5: {  	s0 =	simm.s32 @!p0 $0x2  }
0xd6: {  	_ =	swait.ge @!p0 [sflag:s0], s1  }
0xd7: {  	s1 =	ssub.s32 @!p0 $0x0, s1;
	[sflag:s0] =	ssyncset.done @!p0 $0x0  }
0xd8: {  	[sflag:s0] =	ssyncadd.s32 @!p0 s1  }
0xd9: {  	[bflag:$0x3] =	sbarrier.arrive $0xFFFF  }
0xda: {  	_ =	shalt  }

// kernel: kernel.7.cloned.1.call-start
scs
__scs_entry_jumppad:
0x0: {  	(pc) =	sbr.rel $0x88, $3  }
0x1: {  	(tag) =	ssettag $0x0;
	lr =	simm.s32 $0x1  }
0x2: {  	[smem:$0x3F9A] =	sst lr;
	_ =	strace $0xD0000000  }
0x3: {  	_ = 	snop  }
0x4: {  	_ = 	snop  }
0x5: {  	_ = 	snop  }
0x6: {  	_ = 	snop  }
0x7: {  	_ = 	snop  }
__scs_overlays_trampoline_lowered:
0x8: {  	[smem:$0x3FA9] =	sst s0  }
0x9: {  	[smem:$0x3FAA] =	sst s1  }
0xa: {  	[smem:$0x3FAB] =	sst s2  }
0xb: {  	[smem:$0x3FAC] =	sst s3  }
0xc: {  	[smem:$0x3FAD] =	sst s4  }
0xd: {  	[smem:$0x3FAE] =	sst s5  }
0xe: {  	[smem:$0x3FAF] =	sst s6  }
0xf: {  	[smem:$0x3FB0] =	sst s7  }
0x10: {  	[smem:$0x3FB1] =	sst s8  }
0x11: {  	[smem:$0x3FB2] =	sst s9;
	s0 =	simm.s32 @!p0 $0x0  }
0x12: {  	s1 =	sld [smem:$0x3F98];
	s0 =	simm.s32 @p0 $0x1  }
0x13: {  	[smem:$0x3FB3] =	sst s0;
	s0 =	simm.s32 @!p1 $0x0  }
0x14: {  	s2 =	sld [smem:$0x3F97];
	s0 =	simm.s32 @p1 $0x1  }
0x15: {  	[smem:$0x3FB4] =	sst s0;
	s0 =	simm.s32 @!p2 $0x0  }
0x16: {  	s3 =	sld [smem:$0x3FDB];
	s0 =	simm.s32 @p2 $0x1  }
0x17: {  	s4 =	simm.s32 $0x1BF5;
	[smem:$0x3FB6] =	sst s0  }
0x18: {  	s0 =	sld [smem:$0x3F99];
	_ =	swait.ge [sflag:s4], $0x0  }
0x19: {  	s7 =	sld [smem:$0x3F9A]  }
0x1a: {  	s8 =	sadd.s32 $0xFFFFE003, lr  }
0x1b: {  	s9 =	sadd.s32 $0xFFFFFEF7, lr;
	s5 =	simm.s32 $0xFFFFFFFF;
	p2 =	slt.u32 s8, $0xFFFFF086  }
0x1c: {  	p1 =	slt.u32 s9, $0xF7A;
	s5 =	simm.s32 @!p2 $0x0  }
0x1d: {  	s5 =	simm.s32 @p1 $0x1;
	p0 =	seq.s32 s7, s2  }
0x1e: {  	s7 =	smul.u32 @!p0 $0xF7A, s2;
	p2 =	seq.s32 @!p0 s5, $0x0  }
0x1f: {  	s9 =	smul.u32 $0xF7A, s1;
	s8 =	simm.s32 @!p0 $0x1BF5;
	p2 =	por !p2, p0  }
0x20: {  	[sflag:s8] =	ssyncset.s32 @!p0 $0xFFFFF086;
	s6 =	sadd.s32 @!p0 s3, s7;
	s7 =	simm.s32 @!p0 $0x108  }
0x21: {  	s3 =	sadd.s32 s3, s9;
	s6 =	sadd.s32 @!p0 $0x88, s6;
	s7 =	simm.s32 @p2 $0x1082  }
0x22: {  	[simem:s7], [sflag:s8] =	dma.local @!p0 [hbm:s6], $0xF7A  }
0x23: {  	s9 =	sor.u32 $0xD0000000, s2;
	s6 =	simm.s32 $0x108;
	_ =	swait.ge @!p0 [sflag:s8], $0x0  }
0x24: {  	s3 =	sadd.s32 $0x88, s3;
	s6 =	simm.s32 @!p1 $0x1082;
	[sflag:s4] =	ssyncset.s32 $0xFFFFF086  }
0x25: {  	[simem:s6], [sflag:s4] =	dma.local [hbm:s3], $0xF7A  }
0x26: {  	[smem:$0x3F9A] =	sst s1;
	(tag) =	ssettag s2;
	_ =	strace s9  }
0x27: {  	s1 =	sld [smem:$0x3FAA]  }
0x28: {  	s2 =	sld [smem:$0x3FAB]  }
0x29: {  	s4 =	sld [smem:$0x3FAD]  }
0x2a: {  	p0 =	seq.s32 s5, $0x0;
	s5 =	sld [smem:$0x3FAE]  }
0x2b: {  	s6 =	sld [smem:$0x3FAF]  }
0x2c: {  	s7 =	sld [smem:$0x3FB0]  }
0x2d: {  	s3 =	simm.s32 $0x108;
	s8 =	sld [smem:$0x3FB1]  }
0x2e: {  	s3 =	simm.s32 @!p0 $0x1082;
	s9 =	sld [smem:$0x3FB2]  }
0x2f: {  	lr =	sadd.s32 s0, s3;
	s0 =	sld [smem:$0x3FA9]  }
0x30: {  	s3 =	sld [smem:$0x3FAC]  }
0x31: {  	[smem:$0x3FB5] =	sst s10  }
0x32: {  	s10 =	sld [smem:$0x3FB3];
	_ =	sdelay $0x3  }
0x33: {  	p0 =	seq.s32 s10, $0x1;
	s10 =	sld [smem:$0x3FB5];
	_ =	sdelay $0x3  }
0x34: {  	[smem:$0x3FB5] =	sst s10  }
0x35: {  	s10 =	sld [smem:$0x3FB4];
	_ =	sdelay $0x3  }
0x36: {  	p1 =	seq.s32 s10, $0x1;
	s10 =	sld [smem:$0x3FB5];
	_ =	sdelay $0x3  }
0x37: {  	[smem:$0x3FB5] =	sst s10  }
0x38: {  	s10 =	sld [smem:$0x3FB6]  }
0x39: {  	_ = 	snop;
	(pc) =	sbr.ind lr, $3  }
0x3a: {  	_ = 	snop  }
0x3b: {  	_ = 	snop  }
0x3c: {  	p2 =	seq.s32 s10, $0x1;
	s10 =	sld [smem:$0x3FB5]  }
0x3d: {  	_ =	shalt  }
0x3e: {  	_ =	shalt  }
0x3f: {  	_ =	shalt  }
0x40: {  	_ =	shalt  }
0x41: {  	_ =	shalt  }
0x42: {  	_ =	shalt  }
0x43: {  	_ =	shalt  }
0x44: {  	_ =	shalt  }
0x45: {  	_ =	shalt  }
0x46: {  	_ =	shalt  }
0x47: {  	_ =	shalt  }
0x48: {  	_ =	shalt  }
0x49: {  	_ =	shalt  }
0x4a: {  	_ =	shalt  }
0x4b: {  	_ =	shalt  }
0x4c: {  	_ =	shalt  }
0x4d: {  	_ =	shalt  }
0x4e: {  	_ =	shalt  }
0x4f: {  	_ =	shalt  }
0x50: {  	_ =	shalt  }
0x51: {  	_ =	shalt  }
0x52: {  	_ =	shalt  }
0x53: {  	_ =	shalt  }
0x54: {  	_ =	shalt  }
0x55: {  	_ =	shalt  }
0x56: {  	_ =	shalt  }
0x57: {  	_ =	shalt  }
0x58: {  	_ =	shalt  }
0x59: {  	_ =	shalt  }
0x5a: {  	_ =	shalt  }
0x5b: {  	_ =	shalt  }
0x5c: {  	_ =	shalt  }
0x5d: {  	_ =	shalt  }
0x5e: {  	_ =	shalt  }
0x5f: {  	_ =	shalt  }
0x60: {  	_ =	shalt  }
0x61: {  	_ =	shalt  }
0x62: {  	_ =	shalt  }
0x63: {  	_ =	shalt  }
0x64: {  	_ =	shalt  }
0x65: {  	_ =	shalt  }
0x66: {  	_ =	shalt  }
0x67: {  	_ =	shalt  }
0x68: {  	_ =	shalt  }
0x69: {  	_ =	shalt  }
0x6a: {  	_ =	shalt  }
0x6b: {  	_ =	shalt  }
0x6c: {  	_ =	shalt  }
0x6d: {  	_ =	shalt  }
0x6e: {  	_ =	shalt  }
0x6f: {  	_ =	shalt  }
0x70: {  	_ =	shalt  }
0x71: {  	_ =	shalt  }
0x72: {  	_ =	shalt  }
0x73: {  	_ =	shalt  }
0x74: {  	_ =	shalt  }
0x75: {  	_ =	shalt  }
0x76: {  	_ =	shalt  }
0x77: {  	_ =	shalt  }
0x78: {  	_ =	shalt  }
0x79: {  	_ =	shalt  }
0x7a: {  	_ =	shalt  }
0x7b: {  	_ =	shalt  }
0x7c: {  	_ =	shalt  }
0x7d: {  	_ =	shalt  }
0x7e: {  	_ =	shalt  }
0x7f: {  	_ =	shalt  }
0x80: {  	_ =	shalt  }
0x81: {  	_ =	shalt  }
0x82: {  	_ =	shalt  }
0x83: {  	_ =	shalt  }
0x84: {  	_ =	shalt  }
0x85: {  	_ =	shalt  }
0x86: {  	_ =	shalt  }
0x87: {  	_ =	shalt  }
.Lfunc_end0:
.L_simem_size_0:
called_computation_lowered:
.L_overlay_start_0:
0x88: {  	s2 =	sld [smem:$0x3FD9]  }
0x89: {  	s3 =	sld [smem:$0x3FFE];
	_ =	sdelay $0x1  }
0x8a: {  	s1 =	srdreg.scid  }
0x8b: {  	s0 =	sand.u32 $0x1, s1  }
0x8c: {  	s17 =	sshll.u32 s0, $0xA;
	s2 =	sadd.s32 s3, s2  }
0x8d: {  	s2 =	sadd.s32 s2, s17  }
0x8e: {  	[smem:$0x3FC1] =	sst s2  }
0x8f: {  	_ = 	snop  }
0x90: {  	s2 =	sld [smem:$0x3FC9]  }
0x91: {  	s18 =	sld [smem:$0x3FC7];
	(tm) =	ssettm $0x1  }
0x92: {  	s4 =	sld [smem:$0x3FFB];
	_ =	sdelay $0x3  }
0x93: {  	_ =	strace s4  }
0x94: {  	s4 =	sld [smem:$0x3FFC];
	_ =	sdelay $0x3  }
0x95: {  	_ =	strace s4  }
0x96: {  	s4 =	sld [smem:$0x3FFD];
	_ =	sdelay $0x3  }
0x97: {  	_ =	strace s4  }
0x98: {  	_ =	strace $0x8FFFFFFF  }
0x99: {  	s19 =	sld [smem:$0x3FDB];
	_ =	sdelay $0x1  }
0x9a: {  	s5 =	simm.s32 $_scs_section_size  }
0x9b: {  	s6 =	simm.s32 $_size__tile_overlayer_lowered;
	s7 =	simm.s32 $_tile_overlayer_lowered  }
0x9c: {  	s22 =	simm.s32 $0x1BFF;
	s21 =	sshll.u32 s7, $0x1;
	s4 =	sadd.s32 s5, s19  }
0x9d: {  	s8 =	simm.s32 $0x0;
	s20 =	sshll.u32 s6, $0x1;
	s6 =	sadd.s32 s21, s4  }
0x9e: {  	[timem:s8], [sflag:s22] =	dma.local [hbm:s6], s20  }
0x9f: {  	_ =	swait.ge [sflag:s22], s20  }
0xa0: {  	s5 =	ssub.s32 $0x0, s20;
	[sflag:s22] =	ssyncset.done $0x0  }
0xa1: {  	[sflag:s22] =	ssyncadd.s32 s5;
	_ =	sdelay $0x1  }
0xa2: {  	s23 =	simm.s32 $0x1B8B  }
0xa3: {  	_ =	swait.ge [sflag:s23], $0x1  }
0xa4: {  	[sflag:s23] =	ssyncset.done $0x0  }
0xa5: {  	s25 =	simm.s32 $0x1B8E;
	s24 =	sld [smem:$0x3FFE];
	[sflag:s23] =	ssyncadd.s32 $0xFFFFFFFF  }
0xa6: {  	s26 =	simm.s32 $execute0_lowered;
	[smem:$0x3FD2] =	sst s25  }
0xa7: {  	s6 =	sshll.u32 s26, $0x1;
	_ =	strace $0x80000046;
	[dreg:$0x1] =	wrdreg $0xFFFFFFFF  }
0xa8: {  	s28 =	simm.s32 $_size_execute0_lowered;
	s4 =	sadd.s32 s4, s6;
	[dreg:$0x0] =	wrdreg $0x0  }
0xa9: {  	s6 =	sshll.u32 s28, $0x1;
	[dreg:$0x2] =	wrdreg s4  }
0xaa: {  	[dreg:$0x3] =	wrdreg s6  }
0xab: {  	[dreg:$0x4] =	wrdreg $0xC0  }
0xac: {  	_ =	task [dreg:s8], $0x5FFFF  }
0xad: {  	[dreg:$0x1] =	wrdreg $0xFFFFFFFF  }
0xae: {  	[dreg:$0x0] =	wrdreg $0x60  }
0xaf: {  	[dreg:$0x2] =	wrdreg s18  }
0xb0: {  	[dreg:$0x3] =	wrdreg s24  }
0xb1: {  	[dreg:$0x4] =	wrdreg s2  }
0xb2: {  	[dreg:$0x5] =	wrdreg $0x1AE000  }
0xb3: {  	[dreg:$0x6] =	wrdreg $0x9  }
0xb4: {  	_ =	task.clear_ibuf [dreg:s8], $0x7FFFF;
	_ =	strace $0x90000046  }
0xb5: {  	s29 =	simm.s32 $0x9;
	_ =	strace $0x80000048  }
0xb6: {  	_ =	swait.ge [sflag:s29], $0x1  }
0xb7: {  	[sflag:s29] =	ssyncadd.s32 $0xFFFFFFFF  }
0xb8: {  	_ =	strace $0x90000048  }
0xb9: {  	_ =	sfence  }
0xba: {  	s30 =	sld [smem:$0x0];
	_ =	sdelay $0x2  }
0xbb: {  	s31 =	sshll.u32 s1, $0xD;
	s1 =	sshrl.u32 s1, $0x2  }
0xbc: {  	s3 =	sand.u32 $0x4000, s31;
	s1 =	sadd.s32 s1, s30  }
0xbd: {  	s0 =	sor.u32 s3, s0;
	s1 =	sshll.u32 s1, $0x11  }
0xbe: {  	s0 =	sor.u32 s1, s0  }
0xbf: {  	s0 =	sadd.s32 $0x8F2B, s0  }
0xc0: {  	[sflag:s0] =	ssyncadd.remote.s32 $0x1  }
0xc1: {  	_ =	sfence.sel $0xFFFF  }
0xc2: {  	[dreg:$0x0] =	wrdreg $0xFFFFFFFF;
	(pc) =	sbr.abs _section_cstart, $3  }
0xc3: {  	[dreg:$0x1] =	wrdreg $0xFFFFFFFF  }
0xc4: {  	_ =	task.clear_ibuf [dreg:s8], $0x2FFFF;
	_ =	strace $0x9FFFFFFF  }
0xc5: {  	(tm) =	ssettm $0x7FFFFFFF  }
tec
execute0_lowered:
.L_overlay_start_1:
0x0: {  	(tag) =	ssettag $0x1  }
0x1: {  	s0 =	rddreg [dreg:$0x0]  }
0x2: {  	s2 =	rddreg [dreg:$0x1]  }
0x3: {  	s1 =	rddreg [dreg:$0x2]  }
0x4: {  	s7 =	rddreg [dreg:$0x3];
	s3 =	simm.s32 $0x0  }
0x5: {  	s4 =	srdreg.scid;
	s16 =	stileid.u32;
	s18 =	simm.s32 $0x2080  }
0x6: {  	s19 =	simm.s32 $0x2900;
	s21 =	simm.s32 $0x2E00;
	s17 =	simm.s32 $0x18E00  }
0x7: {  	s20 =	simm.s32 $0x19600;
	s22 =	simm.s32 $0x19E00;
	s23 =	simm.s32 $0x1A600  }
0x8: {  	[smem:$0x7FF] =	sst s3;
	s12 =	sand.u32 $0x1, s4;
	s13 =	sshrl.u32 s16, $0x3  }
0x9: {  	s8 =	sshll.u32 s16, $0x7;
	s31 =	sor.u32 $0x8, s16;
	s16 =	simm.s32 $0x2  }
0xa: {  	_ =	strace $0x80000047;
	s4 =	sshll.u32 s12, $0xB;
	s5 =	sshll.u32 s13, $0x4  }
0xb: {  	s6 =	sshll.u32 s12, $0x5;
	s24 =	sand.u32 $0x400, s8;
	s26 =	ssub.s32 $0x2, s12  }
0xc: {  	s28 =	sshll.u32 s13, $0xA;
	s29 =	sshll.u32 s12, $0xE;
	s30 =	sshll.u32 s13, $0xD  }
0xd: {  	p0 =	seq.s32 s31, $0x8;
	s9 =	sor.u32 s8, s4;
	s5 =	sor.u32 s5, s6  }
0xe: {  	s4 =	sor.u32 s4, s24;
	s11 =	sshrl.u32 s26, $0x1;
	s6 =	sadd.s32 s28, s7  }
0xf: {  	s7 =	sadd.s32 s8, s7;
	s8 =	sadd.s32 $0x100, s1;
	s13 =	sor.u32 s30, s29  }
0x10: {  	s24 =	simm.s32 $0x1;
	s9 =	sshrl.u32 s9, $0x3;
	s10 =	sadd.s32 s5, s2  }
.Ltmp0:
0x11: {  	s4 =	sshrl.u32 s4, $0x3;
	s15 =	ssub.s32 s26, s11;
	(pc) =	sbr.rel .LBB2_1-.Ltmp0, $4  }
0x12: {  	s25 =	smul.u32 $0x300, s9;
	s14 =	sadd.s32 s4, s2;
	s4 =	sadd.s32 s0, s5  }
0x13: {  	v0 =	vlaneseq.u32;
	s5 =	sadd.s32 $0x1400, s10;
	s9 =	sadd.s32 $0x200, s1;
	s12 =	smax.u32 s15, $0x1  }
0x14: {  	v1 =	vimm.s32 $0x0;
	vm0 =	vmmov $0xffff;
	v3 =	vshrl.u32 v0, $0x3;
	s15 =	simm.s32 $0x18600;
	s11 =	sadd.s32 $0x61600, s14;
	s2 =	sadd.s32 s25, s2  }
0x15: {  	v2 =	vand.u32 $0x7, v0;
	v4 =	vor.u32 $0x8, v0;
	v3 =	vmul.u32 $0x8, v3;
	s14 =	simm.s32 $0x17E00;
	s25 =	simm.s32 $0x0;
	s10 =	sadd.s32 $0x1600, s2  }
.LBB2_7:
0x16: {  	[bflag:$0x0] =	sbarrier.arrive $0xFFFF;
	s0 =	simm.s32 $0x2D80  }
0x17: {  	[tilespmem:s0], [sflag:$0x2] =	stream.linear.gather [spmem:s7], $0x80, $0x38;
	[tilespmem:$0x1AE80] =	vst v63  }
0x18: {  	_ =	swait.ge [sflag:s16], $0x80  }
0x19: {  	[sflag:s16] =	ssyncset.done $0x0  }
0x1a: {  	[sflag:s16] =	ssyncadd.s32 $0xFFFFFF80  }
0x1b: {  	v5 =	vld [tilespmem:$0x2D80];
	_ =	sdelay $0x4  }
0x1c: {  	v6 =	vshrl.u32 v5, $0x3  }
0x1d: {  	v6 =	vmul.u32 $0x30, v6  }
0x1e: {  	v5 =	vand.u32 $0x7, v5  }
0x1f: {  	v5 =	vor.u32 v5, v6  }
0x20: {  	v6 =	vperm.xlane v5, v2;
	_ =	sdelay $0x1  }
0x21: {  	v6 =	vadd.s32 v3, v6;
	_ =	sdelay $0x3  }
0x22: {  	v5 =	vperm.xlane v5, v4  }
0x23: {  	[tilespmem:s21], [sflag:$0x1] =	stream.indirect_vreg.gather [hbm4b:s1+s3], $0x80, v6, vm0, $0xb8;
	[tilespmem:$0x1AE80] =	vst v63  }
0x24: {  	s26 =	simm.s32 $0x3600;
	v5 =	vadd.s32 v3, v5  }
0x25: {  	[tilespmem:s26], [sflag:$0x1] =	stream.indirect_vreg.gather [hbm4b:s8+s3], $0x80, v6, vm0, $0xb8;
	[tilespmem:$0x1AE80] =	vst v63  }
0x26: {  	s28 =	simm.s32 $0x3E00  }
0x27: {  	[tilespmem:s28], [sflag:$0x1] =	stream.indirect_vreg.gather [hbm4b:s9+s3], $0x80, v6, vm0, $0xb8;
	[tilespmem:$0x1AE80] =	vst v63  }
0x28: {  	s29 =	simm.s32 $0x4600  }
0x29: {  	[tilespmem:s29], [sflag:$0x1] =	stream.indirect_vreg.gather [hbm4b:s1+s3], $0x80, v5, vm0, $0xb8;
	[tilespmem:$0x1AE80] =	vst v63  }
0x2a: {  	s30 =	simm.s32 $0x4E00  }
0x2b: {  	[tilespmem:s30], [sflag:$0x1] =	stream.indirect_vreg.gather [hbm4b:s8+s3], $0x80, v5, vm0, $0xb8;
	[tilespmem:$0x1AE80] =	vst v63  }
0x2c: {  	s31 =	simm.s32 $0x5600  }
0x2d: {  	[tilespmem:s31], [sflag:$0x1] =	stream.indirect_vreg.gather [hbm4b:s9+s3], $0x80, v5, vm0, $0xb8;
	[tilespmem:$0x1AE80] =	vst v63  }
0x2e: {  	v5 =	vld [tilespmem:$0x2D90];
	_ =	sdelay $0x4  }
0x2f: {  	v6 =	vshrl.u32 v5, $0x3  }
0x30: {  	v6 =	vmul.u32 $0x30, v6  }
0x31: {  	v5 =	vand.u32 $0x7, v5  }
0x32: {  	v5 =	vor.u32 v5, v6  }
0x33: {  	v6 =	vperm.xlane v5, v2;
	_ =	sdelay $0x1  }
0x34: {  	v6 =	vadd.s32 v3, v6;
	_ =	sdelay $0x3  }
0x35: {  	s2 =	simm.s32 $0x5E00;
	v5 =	vperm.xlane v5, v4  }
0x36: {  	[tilespmem:s2], [sflag:$0x1] =	stream.indirect_vreg.gather [hbm4b:s1+s3], $0x80, v6, vm0, $0xb8;
	[tilespmem:$0x1AE80] =	vst v63  }
0x37: {  	s26 =	simm.s32 $0x6600;
	v5 =	vadd.s32 v3, v5  }
0x38: {  	[tilespmem:s26], [sflag:$0x1] =	stream.indirect_vreg.gather [hbm4b:s8+s3], $0x80, v6, vm0, $0xb8;
	[tilespmem:$0x1AE80] =	vst v63  }
0x39: {  	s28 =	simm.s32 $0x6E00  }
0x3a: {  	[tilespmem:s28], [sflag:$0x1] =	stream.indirect_vreg.gather [hbm4b:s9+s3], $0x80, v6, vm0, $0xb8;
	[tilespmem:$0x1AE80] =	vst v63  }
0x3b: {  	s29 =	simm.s32 $0x7600  }
0x3c: {  	[tilespmem:s29], [sflag:$0x1] =	stream.indirect_vreg.gather [hbm4b:s1+s3], $0x80, v5, vm0, $0xb8;
	[tilespmem:$0x1AE80] =	vst v63  }
0x3d: {  	s30 =	simm.s32 $0x7E00  }
0x3e: {  	[tilespmem:s30], [sflag:$0x1] =	stream.indirect_vreg.gather [hbm4b:s8+s3], $0x80, v5, vm0, $0xb8;
	[tilespmem:$0x1AE80] =	vst v63  }
0x3f: {  	s31 =	simm.s32 $0x8600  }
0x40: {  	[tilespmem:s31], [sflag:$0x1] =	stream.indirect_vreg.gather [hbm4b:s9+s3], $0x80, v5, vm0, $0xb8;
	[tilespmem:$0x1AE80] =	vst v63  }
0x41: {  	v5 =	vld [tilespmem:$0x2DA0];
	_ =	sdelay $0x4  }
0x42: {  	v6 =	vshrl.u32 v5, $0x3  }
0x43: {  	v6 =	vmul.u32 $0x30, v6  }
0x44: {  	v5 =	vand.u32 $0x7, v5  }
0x45: {  	v5 =	vor.u32 v5, v6  }
0x46: {  	v6 =	vperm.xlane v5, v2;
	_ =	sdelay $0x1  }
0x47: {  	v6 =	vadd.s32 v3, v6;
	_ =	sdelay $0x3  }
0x48: {  	s2 =	simm.s32 $0x8E00;
	v5 =	vperm.xlane v5, v4  }
0x49: {  	[tilespmem:s2], [sflag:$0x1] =	stream.indirect_vreg.gather [hbm4b:s1+s3], $0x80, v6, vm0, $0xb8;
	[tilespmem:$0x1AE80] =	vst v63  }
0x4a: {  	s26 =	simm.s32 $0x9600;
	v5 =	vadd.s32 v3, v5  }
0x4b: {  	[tilespmem:s26], [sflag:$0x1] =	stream.indirect_vreg.gather [hbm4b:s8+s3], $0x80, v6, vm0, $0xb8;
	[tilespmem:$0x1AE80] =	vst v63  }
0x4c: {  	s28 =	simm.s32 $0x9E00  }
0x4d: {  	[tilespmem:s28], [sflag:$0x1] =	stream.indirect_vreg.gather [hbm4b:s9+s3], $0x80, v6, vm0, $0xb8;
	[tilespmem:$0x1AE80] =	vst v63  }
0x4e: {  	s29 =	simm.s32 $0xA600  }
0x4f: {  	[tilespmem:s29], [sflag:$0x1] =	stream.indirect_vreg.gather [hbm4b:s1+s3], $0x80, v5, vm0, $0xb8;
	[tilespmem:$0x1AE80] =	vst v63  }
0x50: {  	s30 =	simm.s32 $0xAE00  }
0x51: {  	[tilespmem:s30], [sflag:$0x1] =	stream.indirect_vreg.gather [hbm4b:s8+s3], $0x80, v5, vm0, $0xb8;
	[tilespmem:$0x1AE80] =	vst v63  }
0x52: {  	s31 =	simm.s32 $0xB600  }
0x53: {  	[tilespmem:s31], [sflag:$0x1] =	stream.indirect_vreg.gather [hbm4b:s9+s3], $0x80, v5, vm0, $0xb8;
	[tilespmem:$0x1AE80] =	vst v63  }
0x54: {  	v5 =	vld [tilespmem:$0x2DB0];
	_ =	sdelay $0x4  }
0x55: {  	v6 =	vshrl.u32 v5, $0x3  }
0x56: {  	v6 =	vmul.u32 $0x30, v6  }
0x57: {  	v5 =	vand.u32 $0x7, v5  }
0x58: {  	v5 =	vor.u32 v5, v6  }
0x59: {  	v6 =	vperm.xlane v5, v2;
	_ =	sdelay $0x1  }
0x5a: {  	v6 =	vadd.s32 v3, v6;
	_ =	sdelay $0x3  }
0x5b: {  	s2 =	simm.s32 $0xBE00;
	v5 =	vperm.xlane v5, v4  }
0x5c: {  	[tilespmem:s2], [sflag:$0x1] =	stream.indirect_vreg.gather [hbm4b:s1+s3], $0x80, v6, vm0, $0xb8;
	[tilespmem:$0x1AE80] =	vst v63  }
0x5d: {  	s26 =	simm.s32 $0xC600;
	v5 =	vadd.s32 v3, v5  }
0x5e: {  	[tilespmem:s26], [sflag:$0x1] =	stream.indirect_vreg.gather [hbm4b:s8+s3], $0x80, v6, vm0, $0xb8;
	[tilespmem:$0x1AE80] =	vst v63  }
0x5f: {  	s28 =	simm.s32 $0xCE00  }
0x60: {  	[tilespmem:s28], [sflag:$0x1] =	stream.indirect_vreg.gather [hbm4b:s9+s3], $0x80, v6, vm0, $0xb8;
	[tilespmem:$0x1AE80] =	vst v63  }
0x61: {  	s29 =	simm.s32 $0xD600  }
0x62: {  	[tilespmem:s29], [sflag:$0x1] =	stream.indirect_vreg.gather [hbm4b:s1+s3], $0x80, v5, vm0, $0xb8;
	[tilespmem:$0x1AE80] =	vst v63  }
0x63: {  	s30 =	simm.s32 $0xDE00  }
0x64: {  	[tilespmem:s30], [sflag:$0x1] =	stream.indirect_vreg.gather [hbm4b:s8+s3], $0x80, v5, vm0, $0xb8;
	[tilespmem:$0x1AE80] =	vst v63  }
0x65: {  	s31 =	simm.s32 $0xE600  }
0x66: {  	[tilespmem:s31], [sflag:$0x1] =	stream.indirect_vreg.gather [hbm4b:s9+s3], $0x80, v5, vm0, $0xb8;
	[tilespmem:$0x1AE80] =	vst v63  }
0x67: {  	v5 =	vld [tilespmem:$0x2DC0];
	_ =	sdelay $0x4  }
0x68: {  	v6 =	vshrl.u32 v5, $0x3  }
0x69: {  	v6 =	vmul.u32 $0x30, v6  }
0x6a: {  	v5 =	vand.u32 $0x7, v5  }
0x6b: {  	v5 =	vor.u32 v5, v6  }
0x6c: {  	v6 =	vperm.xlane v5, v2;
	_ =	sdelay $0x1  }
0x6d: {  	v6 =	vadd.s32 v3, v6;
	_ =	sdelay $0x3  }
0x6e: {  	s2 =	simm.s32 $0xEE00;
	v5 =	vperm.xlane v5, v4  }
0x6f: {  	[tilespmem:s2], [sflag:$0x1] =	stream.indirect_vreg.gather [hbm4b:s1+s3], $0x80, v6, vm0, $0xb8;
	[tilespmem:$0x1AE80] =	vst v63  }
0x70: {  	s26 =	simm.s32 $0xF600;
	v5 =	vadd.s32 v3, v5  }
0x71: {  	[tilespmem:s26], [sflag:$0x1] =	stream.indirect_vreg.gather [hbm4b:s8+s3], $0x80, v6, vm0, $0xb8;
	[tilespmem:$0x1AE80] =	vst v63  }
0x72: {  	s28 =	simm.s32 $0xFE00  }
0x73: {  	[tilespmem:s28], [sflag:$0x1] =	stream.indirect_vreg.gather [hbm4b:s9+s3], $0x80, v6, vm0, $0xb8;
	[tilespmem:$0x1AE80] =	vst v63  }
0x74: {  	s29 =	simm.s32 $0x10600  }
0x75: {  	[tilespmem:s29], [sflag:$0x1] =	stream.indirect_vreg.gather [hbm4b:s1+s3], $0x80, v5, vm0, $0xb8;
	[tilespmem:$0x1AE80] =	vst v63  }
0x76: {  	s30 =	simm.s32 $0x10E00  }
0x77: {  	[tilespmem:s30], [sflag:$0x1] =	stream.indirect_vreg.gather [hbm4b:s8+s3], $0x80, v5, vm0, $0xb8;
	[tilespmem:$0x1AE80] =	vst v63  }
0x78: {  	s31 =	simm.s32 $0x11600  }
0x79: {  	[tilespmem:s31], [sflag:$0x1] =	stream.indirect_vreg.gather [hbm4b:s9+s3], $0x80, v5, vm0, $0xb8;
	[tilespmem:$0x1AE80] =	vst v63  }
0x7a: {  	v5 =	vld [tilespmem:$0x2DD0];
	_ =	sdelay $0x4  }
0x7b: {  	v6 =	vshrl.u32 v5, $0x3  }
0x7c: {  	v6 =	vmul.u32 $0x30, v6  }
0x7d: {  	v5 =	vand.u32 $0x7, v5  }
0x7e: {  	v5 =	vor.u32 v5, v6  }
0x7f: {  	v6 =	vperm.xlane v5, v2;
	_ =	sdelay $0x1  }
0x80: {  	v6 =	vadd.s32 v3, v6;
	_ =	sdelay $0x3  }
0x81: {  	s2 =	simm.s32 $0x11E00;
	v5 =	vperm.xlane v5, v4  }
0x82: {  	[tilespmem:s2], [sflag:$0x1] =	stream.indirect_vreg.gather [hbm4b:s1+s3], $0x80, v6, vm0, $0xb8;
	[tilespmem:$0x1AE80] =	vst v63  }
0x83: {  	s26 =	simm.s32 $0x12600;
	v5 =	vadd.s32 v3, v5  }
0x84: {  	[tilespmem:s26], [sflag:$0x1] =	stream.indirect_vreg.gather [hbm4b:s8+s3], $0x80, v6, vm0, $0xb8;
	[tilespmem:$0x1AE80] =	vst v63  }
0x85: {  	s28 =	simm.s32 $0x12E00  }
0x86: {  	[tilespmem:s28], [sflag:$0x1] =	stream.indirect_vreg.gather [hbm4b:s9+s3], $0x80, v6, vm0, $0xb8;
	[tilespmem:$0x1AE80] =	vst v63  }
0x87: {  	s29 =	simm.s32 $0x13600  }
0x88: {  	[tilespmem:s29], [sflag:$0x1] =	stream.indirect_vreg.gather [hbm4b:s1+s3], $0x80, v5, vm0, $0xb8;
	[tilespmem:$0x1AE80] =	vst v63  }
0x89: {  	s30 =	simm.s32 $0x13E00  }
0x8a: {  	[tilespmem:s30], [sflag:$0x1] =	stream.indirect_vreg.gather [hbm4b:s8+s3], $0x80, v5, vm0, $0xb8;
	[tilespmem:$0x1AE80] =	vst v63  }
0x8b: {  	s31 =	simm.s32 $0x14600  }
0x8c: {  	[tilespmem:s31], [sflag:$0x1] =	stream.indirect_vreg.gather [hbm4b:s9+s3], $0x80, v5, vm0, $0xb8;
	[tilespmem:$0x1AE80] =	vst v63  }
0x8d: {  	v5 =	vld [tilespmem:$0x2DE0];
	_ =	sdelay $0x4  }
0x8e: {  	v6 =	vshrl.u32 v5, $0x3  }
0x8f: {  	v6 =	vmul.u32 $0x30, v6  }
0x90: {  	v5 =	vand.u32 $0x7, v5  }
0x91: {  	v5 =	vor.u32 v5, v6  }
0x92: {  	v6 =	vperm.xlane v5, v2;
	_ =	sdelay $0x1  }
0x93: {  	v6 =	vadd.s32 v3, v6;
	_ =	sdelay $0x3  }
0x94: {  	s2 =	simm.s32 $0x14E00;
	v5 =	vperm.xlane v5, v4  }
0x95: {  	[tilespmem:s2], [sflag:$0x1] =	stream.indirect_vreg.gather [hbm4b:s1+s3], $0x80, v6, vm0, $0xb8;
	[tilespmem:$0x1AE80] =	vst v63  }
0x96: {  	s26 =	simm.s32 $0x15600;
	v5 =	vadd.s32 v3, v5  }
0x97: {  	[tilespmem:s26], [sflag:$0x1] =	stream.indirect_vreg.gather [hbm4b:s8+s3], $0x80, v6, vm0, $0xb8;
	[tilespmem:$0x1AE80] =	vst v63  }
0x98: {  	s28 =	simm.s32 $0x15E00  }
0x99: {  	[tilespmem:s28], [sflag:$0x1] =	stream.indirect_vreg.gather [hbm4b:s9+s3], $0x80, v6, vm0, $0xb8;
	[tilespmem:$0x1AE80] =	vst v63  }
0x9a: {  	s29 =	simm.s32 $0x16600  }
0x9b: {  	[tilespmem:s29], [sflag:$0x1] =	stream.indirect_vreg.gather [hbm4b:s1+s3], $0x80, v5, vm0, $0xb8;
	[tilespmem:$0x1AE80] =	vst v63  }
0x9c: {  	s30 =	simm.s32 $0x16E00  }
0x9d: {  	[tilespmem:s30], [sflag:$0x1] =	stream.indirect_vreg.gather [hbm4b:s8+s3], $0x80, v5, vm0, $0xb8;
	[tilespmem:$0x1AE80] =	vst v63  }
0x9e: {  	s31 =	simm.s32 $0x17600  }
0x9f: {  	[tilespmem:s31], [sflag:$0x1] =	stream.indirect_vreg.gather [hbm4b:s9+s3], $0x80, v5, vm0, $0xb8;
	[tilespmem:$0x1AE80] =	vst v63  }
0xa0: {  	v5 =	vld [tilespmem:$0x2DF0];
	_ =	sdelay $0x4  }
0xa1: {  	v6 =	vshrl.u32 v5, $0x3  }
0xa2: {  	v6 =	vmul.u32 $0x30, v6  }
0xa3: {  	v5 =	vand.u32 $0x7, v5  }
0xa4: {  	v5 =	vor.u32 v5, v6  }
0xa5: {  	v6 =	vperm.xlane v5, v2;
	_ =	sdelay $0x1  }
0xa6: {  	v6 =	vadd.s32 v3, v6;
	_ =	sdelay $0x3  }
0xa7: {  	v5 =	vperm.xlane v5, v4  }
0xa8: {  	[tilespmem:s14], [sflag:$0x1] =	stream.indirect_vreg.gather [hbm4b:s1+s3], $0x80, v6, vm0, $0xb8;
	[tilespmem:$0x1AE80] =	vst v63  }
0xa9: {  	v5 =	vadd.s32 v3, v5  }
0xaa: {  	[tilespmem:s15], [sflag:$0x1] =	stream.indirect_vreg.gather [hbm4b:s8+s3], $0x80, v6, vm0, $0xb8;
	[tilespmem:$0x1AE80] =	vst v63  }
0xab: {  	_ = 	snop  }
0xac: {  	[tilespmem:s17], [sflag:$0x1] =	stream.indirect_vreg.gather [hbm4b:s9+s3], $0x80, v6, vm0, $0xb8;
	[tilespmem:$0x1AE80] =	vst v63  }
0xad: {  	_ = 	snop  }
0xae: {  	[tilespmem:s20], [sflag:$0x1] =	stream.indirect_vreg.gather [hbm4b:s1+s3], $0x80, v5, vm0, $0xb8;
	[tilespmem:$0x1AE80] =	vst v63  }
0xaf: {  	_ = 	snop  }
0xb0: {  	[tilespmem:s22], [sflag:$0x1] =	stream.indirect_vreg.gather [hbm4b:s8+s3], $0x80, v5, vm0, $0xb8;
	[tilespmem:$0x1AE80] =	vst v63  }
0xb1: {  	_ = 	snop  }
0xb2: {  	[tilespmem:s23], [sflag:$0x1] =	stream.indirect_vreg.gather [hbm4b:s9+s3], $0x80, v5, vm0, $0xb8;
	[tilespmem:$0x1AE80] =	vst v63  }
0xb3: {  	_ =	swait.ge [sflag:s24], $0x18000  }
0xb4: {  	[sflag:s24] =	ssyncset.done $0x0  }
0xb5: {  	[sflag:s24] =	ssyncadd.s32 $0xFFFE8000  }
0xb6: {  	[hbm4b:s10+s3] =	stream.linear.scatter [tilespmem:s21], [sflag:$0x2], $0x18000, $0x38;
	[tilespmem:$0x1AE80] =	vst v63  }
0xb7: {  	_ =	swait.ge [sflag:s16], $0x18000  }
0xb8: {  	s25 =	sadd.s32 $0x1, s25;
	s0 =	simm.s32 @p0 $0x0;
	[sflag:s16] =	ssyncset.done $0x0  }
0xb9: {  	p1 =	sne.s32 s25, s12;
	s2 =	simm.s32 @p0 $0x2080;
	[sflag:s16] =	ssyncadd.s32 $0xFFFE8000  }
0xba: {  	[hbm4b:s11+s0] =	stream.linear.scatter @p0 [tilespmem:s2], [sflag:$0x2], $0x400, $0x38;
	[tilespmem:$0x1AE80] =	vst v63  }
.Ltmp1:
0xbb: {  	_ = 	snop;
	(pc) =	sbr.rel @!p1 .LBB2_8-.Ltmp1, $4  }
0xbc: {  	s0 =	simm.s32 @p0 $0x2  }
0xbd: {  	_ =	swait.ge @p0 [sflag:s0], $0x400  }
0xbe: {  	[sflag:s0] =	ssyncset.done @p0 $0x0  }
0xbf: {  	[sflag:s0] =	ssyncadd.s32 @p0 $0xFFFFFC00  }
.LBB2_1:
.Ltmp2:
0xc0: {  	(pc) =	sbr.rel @!p0 .LBB2_7-.Ltmp2, $1  }
0xc1: {  	_ =	sdelay $0x3  }
0xc2: {  	s26 =	simm.s32 $0x0;
	s0 =	simm.s32 $0x80;
	s2 =	simm.s32 $0x200  }
0xc3: {  	[tilespmem:s26], [sflag:$0x2] =	stream.strided.gather [hbm4b:s4+s0], $0x2000, s2, s0, $0x38;
	[tilespmem:$0x1AE80] =	vst v63  }
0xc4: {  	_ =	swait.ge [sflag:s16], $0x2000  }
0xc5: {  	[sflag:s16] =	ssyncset.done $0x0  }
0xc6: {  	s2 =	simm.s32 $0x2000;
	[sflag:s16] =	ssyncadd.s32 $0xFFFFE000  }
0xc7: {  	[tilespmem:s2], [sflag:$0x2] =	stream.linear.gather [hbm4b:s5+s26], $0x80, $0x38;
	[tilespmem:$0x1AE80] =	vst v63  }
0xc8: {  	_ =	swait.ge [sflag:s16], $0x80  }
0xc9: {  	[sflag:s16] =	ssyncset.done $0x0  }
0xca: {  	[sflag:s16] =	ssyncadd.s32 $0xFFFFFF80  }
0xcb: {  	s28 =	simm.s32 $0x0;
	v5 =	vld [tilespmem:$0x2000]  }
0xcc: {  	v6 =	vld [tilespmem:s28+$0x0];
	_ =	sdelay $0x4  }
0xcd: {  	vm1 =	vgt.f32 v6, v5  }
0xce: {  	vm2 =	veq.f32 v6, v5;
	v6 =	vsel vm1, $0x1, v1  }
0xcf: {  	v7 =	vsel vm2, $0x1, v1;
	(xrf0) =	vadd.scan.msk.s32 $0xffff, v6  }
0xd0: {  	(xrf0) =	vadd.scan.msk.s32 $0xffff, v7;
	_ =	sdelay $0x2  }
0xd1: {  	v6 =	vmov s26  }
0xd2: {  	v6 =	vadd.s32 $0xFFFFFFFF, v6  }
0xd3: {  	v6 =	vbroadcast v6, $0x0;
	v7, _, _ =	vpop (xrf0)  }
0xd4: {  	(v2sf) =	vpush v7, $0xF;
	v8, _, _ =	vpop (xrf0)  }
0xd5: {  	v9 =	vadd.s32 v8, v6  }
0xd6: {  	v6 =	vadd.s32 v7, v6;
	(v2sf) =	vpush v8, $0xF;
	vm3 =	vlt.s32 v9, $0x400  }
0xd7: {  	v6 =	vnsel vm1, $0x80F, v6;
	v7 =	vnsel vm3, $0x400, v9  }
0xd8: {  	v7 =	vnsel vm2, $0x400, v7;
	_ =	sdelay $0x2  }
0xd9: {  	v63 =	vor.u32 s13, v0  }
0xda: {  	[tilespmem:v6+s18+$0x0] =	vst.idx.msk $0xffff, v63  }
0xdb: {  	s28 =	simm.s32 $0x10;
	[tilespmem:v7+s19+$0x0] =	vst.idx.msk $0xffff, v63  }
0xdc: {  	v6 =	vld [tilespmem:s28+$0x0];
	_ =	sdelay $0x3  }
0xdd: {  	s31 =	simm.s32 $0x80  }
0xde: {  	s29 =	simm.s32 $0x0;
	s28 =	sadd.s32 $0x10, s13;
	vm2 =	vgt.f32 v6, v5;
	vm1 =	veq.f32 v6, v5;
	s30 =	spop (v2sf)  }
.LBB2_3:
0xdf: {  	s26 =	sadd.s32 s26, s30  }
0xe0: {  	v6 =	vsel vm2, $0x1, v1;
	v7 =	vsel vm1, $0x1, v1;
	s30 =	spop (v2sf);
	s0 =	smov.u32 s31;
	s2 =	sadd.s32 $0x40, s31  }
0xe1: {  	p1 =	seq.s32 s31, $0x7FC0;
	v8 =	vmov s26;
	(xrf0) =	vadd.scan.msk.s32 $0xffff, v6;
	s29 =	sadd.s32 s29, s30  }
0xe2: {  	v6 =	vadd.s32 $0xFFFFFFFF, v8;
	v8 =	vmov s29;
	(xrf0) =	vadd.scan.msk.s32 $0xffff, v7  }
0xe3: {  	v7 =	vadd.s32 $0xFFFFFFFF, v8;
	_ =	sdelay $0x2  }
0xe4: {  	v6 =	vbroadcast v6, $0x0  }
0xe5: {  	v7 =	vbroadcast v7, $0x0;
	v8, _, _ =	vpop (xrf0)  }
0xe6: {  	v6 =	vadd.s32 v8, v6;
	(v2sf) =	vpush v8, $0xF;
	v8, _, _ =	vpop (xrf0)  }
0xe7: {  	v6 =	vnsel vm2, $0x80F, v6;
	v7 =	vadd.s32 v8, v7;
	(v2sf) =	vpush v8, $0xF  }
0xe8: {  	vm2 =	vlt.s32 v7, $0x400  }
0xe9: {  	v7 =	vnsel vm2, $0x400, v7  }
0xea: {  	v7 =	vnsel vm1, $0x400, v7  }
0xeb: {  	v8 =	vor.u32 s28, v0  }
0xec: {  	[tilespmem:v6+s18+$0x0] =	vst.idx.msk $0xffff, v8;
	_ =	sdelay $0x2  }
0xed: {  	s0 =	sshra.s32 s0, $0x2;
	[tilespmem:v7+s19+$0x0] =	vst.idx.msk $0xffff, v8  }
0xee: {  	v6 =	vld [tilespmem:s0+$0x0]  }
.Ltmp3:
0xef: {  	(pc) =	sbr.rel @!p1 .LBB2_3-.Ltmp3, $2  }
0xf0: {  	_ =	sdelay $0x2  }
0xf1: {  	s31 =	smov.u32 s2;
	s28 =	sadd.s32 $0x10, s28;
	vm2 =	vgt.f32 v6, v5;
	vm1 =	veq.f32 v6, v5;
	s30 =	spop (v2sf)  }
0xf2: {  	v5 =	vsel vm2, $0x1, v1  }
0xf3: {  	(xrf0) =	vadd.scan.msk.s32 $0xffff, v5;
	_ =	sdelay $0x4  }
0xf4: {  	v6 =	vsel vm1, $0x1, v1  }
0xf5: {  	(xrf0) =	vadd.scan.msk.s32 $0xffff, v6;
	v5, _, _ =	vpop (xrf0)  }
0xf6: {  	(v2sf) =	vpush v5, $0xF;
	_ =	sdelay $0x4  }
0xf7: {  	v6, _, _ =	vpop (xrf0)  }
0xf8: {  	s0 =	spop (v2sf);
	(v2sf) =	vpush v6, $0xF  }
0xf9: {  	s0 =	sadd.s32 s29, s0  }
0xfa: {  	s26 =	sadd.s32 s26, s30;
	v7 =	vmov s0  }
0xfb: {  	v8 =	vmov s26;
	v7 =	vadd.s32 $0xFFFFFFFF, v7  }
0xfc: {  	v8 =	vadd.s32 $0xFFFFFFFF, v8;
	v7 =	vbroadcast v7, $0x0  }
0xfd: {  	v8 =	vbroadcast v8, $0x0  }
0xfe: {  	v6 =	vadd.s32 v6, v7  }
0xff: {  	v5 =	vadd.s32 v5, v8;
	vm3 =	vlt.s32 v6, $0x400  }
0x100: {  	v5 =	vnsel vm2, $0x80F, v5;
	v6 =	vnsel vm3, $0x400, v6  }
0x101: {  	v7 =	vor.u32 s28, v0;
	v6 =	vnsel vm1, $0x400, v6;
	s28 =	spop (v2sf)  }
0x102: {  	s26 =	sshll.u32 s26, $0x2;
	s28 =	sshll.u32 s28, $0x2  }
0x103: {  	s26 =	sadd.s32 s26, s28  }
0x104: {  	s26 =	sshra.s32 s26, $0x2  }
0x105: {  	[tilespmem:v5+s18+$0x0] =	vst.idx.msk $0xffff, v7;
	s26 =	sadd.s32 $0x2080, s26  }
0x106: {  	[tilespmem:v6+s19+$0x0] =	vst.idx.msk $0xffff, v7;
	v5 =	vmov s26;
	s26 =	simm.s32 $0x0  }
0x107: {  	s31 =	spop (v2sf);
	s28 =	simm.s32 $0x40;
	v6 =	vld [tilespmem:s26+$0x2900]  }
.LBB2_5:
0x108: {  	p1 =	sne.s32 s28, $0xFC0  }
.Ltmp4:
0x109: {  	_ = 	snop;
	(pc) =	sbr.rel @p1 .LBB2_5-.Ltmp4, $3  }
0x10a: {  	_ =	sdelay $0x1  }
0x10b: {  	[tilespmem:v5+s26+$0x0 ss:$0x1] =	vst.idx.msk $0xffff, v6;
	s26 =	sshra.s32 s28, $0x2;
	s28 =	sadd.s32 $0x40, s28  }
0x10c: {  	v6 =	vld [tilespmem:s26+$0x2900]  }
0x10d: {  	_ =	sdelay $0x3  }
.Ltmp5:
0x10e: {  	[tilespmem:v5+s26+$0x0 ss:$0x1] =	vst.idx.msk $0xffff, v6;
	(pc) =	sbr.rel .LBB2_7-.Ltmp5, $4  }
0x10f: {  	[spmem:s6] =	stream.linear.scatter [tilespmem:s18], [sflag:$0x2], $0x400, $0x38;
	[tilespmem:$0x1AE80] =	vst v63  }
0x110: {  	_ =	swait.ge [sflag:s16], $0x400  }
0x111: {  	[sflag:s16] =	ssyncset.done $0x0  }
0x112: {  	[sflag:s16] =	ssyncadd.s32 $0xFFFFFC00  }
.LBB2_8:
0x113: {  	_ =	sfence.sel $0x180000  }
0x114: {  	[bflag:$0x0] =	sbarrier.arrive $0xFFFF  }
0x115: {  	_ =	strace $0x90000047  }
0x116: {  	s0 =	stileid.u32;
	[bflag:$0x2] =	sbarrier.arrive $0xFFFF  }
0x117: {  	p0 =	sne.s32 s0, $0x0;
	s0 =	rddreg [dreg:$0x4]  }
0x118: {  	s0 =	sadd.s32 @!p0 $0x100000, s0  }
0x119: {  	[sflag:s0] =	ssyncadd.tile.s32 @!p0 $0x1;
	_ =	shalt  }
.Lfunc_end2:
_tile_overlayer_lowered:
.L_overlay_start_2:
0x11a: {  	(tag) =	ssettag $0x2  }
0x11b: {  	s0 =	rddreg [dreg:$0x0];
	s2 =	stileid.u32  }
0x11c: {  	s1 =	rddreg [dreg:$0x1];
	p0 =	sne.s32 s2, $0x0  }
0x11d: {  	s3 =	rddreg [dreg:$0x2];
	[bflag:$0x3] =	sbarrier.arrive $0xFFFF;
	s2 =	simm.s32 @!p0 $0x1C02  }
0x11e: {  	[timem:s3], [sflag:s2] =	dma.local @!p0 [hbm:s0], s1  }
0x11f: {  	s0 =	simm.s32 @!p0 $0x2  }
0x120: {  	_ =	swait.ge @!p0 [sflag:s0], s1  }
0x121: {  	s1 =	ssub.s32 @!p0 $0x0, s1;
	[sflag:s0] =	ssyncset.done @!p0 $0x0  }
0x122: {  	[sflag:s0] =	ssyncadd.s32 @!p0 s1  }
0x123: {  	[bflag:$0x3] =	sbarrier.arrive $0xFFFF  }
0x124: {  	_ =	shalt  }

</sc_bundles>
